<compile_context>
chip_gen: v7x
topology: tpu7x:2x2x1
jax: 0.10.2.dev20260603
libtpu: 0.0.44.dev20260713+nightly
codegen_flags: <defaults>
</compile_context>

<pallas_src>
import functools

import jax
import jax.numpy as jnp
from jax import lax
from jax.experimental import pallas as pl
from jax.experimental.pallas import tpu as pltpu
from jax.experimental.pallas import tpu_sc as plsc

N_NODES = 10000
N_EDGES = 320000
D = 128

NC = 2
NS = 16
NW = NC * NS
CHUNK = 128
N_CHUNKS = N_EDGES // CHUNK
NCH_BASE = N_CHUNKS // NW
N_EXTRA = N_CHUNKS - NW * NCH_BASE
NBUF = 3
NGRP = 3
UNROLL = 6
ROWS_A = 632
ROWS_B = N_NODES - (NS - 1) * ROWS_A


def _make_sc_scatter():
    mesh = plsc.VectorSubcoreMesh(core_axis_name="c", subcore_axis_name="s")

    @functools.partial(
        pl.kernel,
        mesh=mesh,
        out_type=jax.ShapeDtypeStruct((NC, N_NODES, D), jnp.float32),
        scratch_types=(
            [pltpu.VMEM((2, 1, CHUNK), jnp.int32) for _ in range(NGRP)]
            + [pltpu.VMEM((2, 1, CHUNK), jnp.int32) for _ in range(NGRP)]
            + [pltpu.VMEM((CHUNK, D), jnp.float32) for _ in range(NBUF)]
            + [pltpu.VMEM_SHARED((N_NODES, D), jnp.float32)]
            + [pltpu.SemaphoreType.DMA for _ in range(2 * NBUF + NGRP)]
        ),
    )
    def sc_scatter(src_hbm, dst_hbm, x_hbm, zeros_hbm, out_hbm,
                   sa0, sa1, sa2, da0, da1, da2,
                   rows0, rows1, rows2, h_sh,
                   gs0, gs1, gs2, ss0, ss1, ss2,
                   is0, is1, is2):
        cid = lax.axis_index("c")
        sid = lax.axis_index("s")
        wid = sid * NC + cid

        srcs = (sa0, sa1, sa2)
        dsts = (da0, da1, da2)
        rows = (rows0, rows1, rows2)
        gsems = (gs0, gs1, gs2)
        ssems = (ss0, ss1, ss2)
        isems = (is0, is1, is2)

        row0 = sid * ROWS_A

        @pl.when(sid < NS - 1)
        def _():
            pltpu.sync_copy(zeros_hbm.at[pl.ds(row0, ROWS_A)],
                            h_sh.at[pl.ds(row0, ROWS_A)])

        @pl.when(sid == NS - 1)
        def _():
            pltpu.sync_copy(zeros_hbm.at[pl.ds(row0, ROWS_B)],
                            h_sh.at[pl.ds(row0, ROWS_B)])

        plsc.subcore_barrier()

        has_extra = wid < N_EXTRA
        chunk0 = wid * NCH_BASE + lax.min(wid, N_EXTRA)
        nch = NCH_BASE + has_extra.astype(jnp.int32)

        def load_grp(g, s):
            base = chunk0 + 2 * g
            pltpu.async_copy(src_hbm.at[pl.ds(base, 2)], srcs[s], isems[s])
            pltpu.async_copy(dst_hbm.at[pl.ds(base, 2)], dsts[s], isems[s])

        def wait_grp(g, s):
            base = chunk0 + 2 * g
            pltpu.make_async_copy(src_hbm.at[pl.ds(base, 2)], srcs[s],
                                  isems[s]).wait()
            pltpu.make_async_copy(dst_hbm.at[pl.ds(base, 2)], dsts[s],
                                  isems[s]).wait()

        def start_gather(s, p, k):
            pltpu.async_copy(x_hbm.at[srcs[s].at[p, 0]], rows[k], gsems[k])

        def wait_gather(s, p, k):
            pltpu.make_async_copy(x_hbm.at[srcs[s].at[p, 0]], rows[k],
                                  gsems[k]).wait()

        def start_scatter(s, p, k):
            pltpu.async_copy(rows[k], h_sh.at[dsts[s].at[p, 0]], ssems[k],
                             add=True)

        def wait_scatter(s, p, k):
            pltpu.make_async_copy(rows[k], h_sh.at[dsts[s].at[p, 0]],
                                  ssems[k]).wait()

        for g in range(3):
            load_grp(g, g)
        wait_grp(0, 0)
        start_gather(0, 0, 0)
        start_gather(0, 1, 1)

        def step(j, c):
            k = c % NBUF
            s = (c // 2) % NGRP
            p = c % 2
            k2 = (c + 2) % NBUF
            s2 = ((c + 2) // 2) % NGRP
            p2 = (c + 2) % 2
            s1 = ((c + 5) // 2) % NGRP
            p1 = (c + 5) % 2

            wait_gather(s, p, k)
            start_scatter(s, p, k)

            if c == 0:
                @pl.when(j >= 1)
                def _():
                    wait_scatter(s1, p1, k2)
            else:
                wait_scatter(s1, p1, k2)

            @pl.when(j + 2 < nch)
            def _():
                if p2 == 0:
                    wait_grp((j + 2) // 2, s2)
                start_gather(s2, p2, k2)

            if p == 0:
                @pl.when((j >= 2) & (j + 4 < nch))
                def _():
                    load_grp(j // 2 + 2, (c // 2 + 2) % NGRP)

        def ring(i, carry):
            j = UNROLL * i
            for c in range(UNROLL):
                step(j + c, c)
            return carry

        lax.fori_loop(0, NCH_BASE // UNROLL, ring, 0)

        kt = NCH_BASE % NBUF
        st = (NCH_BASE // 2) % NGRP
        pt = NCH_BASE % 2
        s_prev = ((NCH_BASE - 1) // 2) % NGRP
        p_prev = (NCH_BASE - 1) % 2
        k_prev = (NCH_BASE - 1) % NBUF

        @pl.when(has_extra)
        def _():
            wait_gather(st, pt, kt)
            start_scatter(st, pt, kt)
            wait_scatter(s_prev, p_prev, k_prev)
            wait_scatter(st, pt, kt)

        @pl.when(jnp.logical_not(has_extra))
        def _():
            wait_scatter(s_prev, p_prev, k_prev)

        plsc.subcore_barrier()

        @pl.when(sid < NS - 1)
        def _():
            pltpu.sync_copy(h_sh.at[pl.ds(row0, ROWS_A)],
                            out_hbm.at[cid, pl.ds(row0, ROWS_A)])

        @pl.when(sid == NS - 1)
        def _():
            pltpu.sync_copy(h_sh.at[pl.ds(row0, ROWS_B)],
                            out_hbm.at[cid, pl.ds(row0, ROWS_B)])

    return sc_scatter


_sc_scatter = _make_sc_scatter()


def _tc_linear_body(h_ref, wt_ref, b_ref, o_ref):
    z = h_ref[0] + h_ref[1]
    acc = jnp.dot(z, wt_ref[...], preferred_element_type=jnp.float32)
    o_ref[...] = jnp.maximum(acc + b_ref[...], 0.0)


ROW_BLK = 1000


def _tc_linear(h, wt, b2):
    return pl.pallas_call(
        _tc_linear_body,
        grid=(N_NODES // ROW_BLK,),
        in_specs=[
            pl.BlockSpec((NC, ROW_BLK, D), lambda i: (0, i, 0)),
            pl.BlockSpec((D, D), lambda i: (0, 0)),
            pl.BlockSpec((1, D), lambda i: (0, 0)),
        ],
        out_specs=pl.BlockSpec((ROW_BLK, D), lambda i: (i, 0)),
        out_shape=jax.ShapeDtypeStruct((N_NODES, D), jnp.float32),
    )(h, wt, b2)


def kernel(inputs, edge_index, W, b):
    src3 = edge_index[0].astype(jnp.int32).reshape(N_CHUNKS, 1, CHUNK)
    dst3 = edge_index[1].astype(jnp.int32).reshape(N_CHUNKS, 1, CHUNK)
    zeros = jnp.zeros((N_NODES, D), jnp.float32)
    h = _sc_scatter(src3, dst3, inputs, zeros)
    return _tc_linear(h, W.T, b.reshape(1, D))

# --- scband reference (transcript-rebuilt; emitter-appended) ---
"""Pipeline reference for scband-gcnlayer-75033078661648 (READ-ONLY COPY).

The authoritative reference and input builder live on the scoring server;
editing this copy changes nothing except your own understanding.
"""

import jax, jax.numpy as jnp
import numpy as np

N_NODES = 10000
N_EDGES = 320000
D_IN = 128
D_OUT = 128

def setup_inputs(seed: int = 0) -> dict:
    key = jax.random.key(seed)
    k1, k2, k3, k4 = jax.random.split(key, 4)
    inputs = jax.random.normal(k1, (N_NODES, D_IN), dtype=jnp.float32)
    edge_index = jax.random.randint(k2, (2, N_EDGES), 0, N_NODES, dtype=jnp.int64)
    # Linear layer params (PyTorch nn.Linear style: W [out, in], b [out])
    bound = 1.0 / np.sqrt(D_IN)
    W = jax.random.uniform(k3, (D_OUT, D_IN), dtype=jnp.float32, minval=-bound, maxval=bound)
    b = jax.random.uniform(k4, (D_OUT,), dtype=jnp.float32, minval=-bound, maxval=bound)
    return {"inputs": inputs, "edge_index": edge_index, "W": W, "b": b}

def reference(inputs, edge_index, W, b):
    # dropout p=0.0 (identity)
    src = edge_index[0]
    dst = edge_index[1]
    # message: copy src node feature along each edge
    msgs = jnp.take(inputs, src, axis=0)
    # reduce: sum incoming messages at dst nodes
    h = jax.ops.segment_sum(msgs, dst, num_segments=N_NODES)
    # linear + relu
    out = h @ W.T + b
    return jax.nn.relu(out)

if __name__ == "__main__":
    import jax
    _d = setup_inputs()
    print(jax.jit(kernel)(*tuple(_d.values())))

</pallas_src>

<mosaic_0001>
#map = affine_map<(d0, d1) -> (0, 0, 0)>
#map1 = affine_map<(d0, d1) -> (0, 0)>
module attributes {stable_mosaic.version = 14 : i64} {
  func.func @sc_scatter(%arg0: i32, %arg1: i32, %arg2: memref<2500x1x128xi32, #tpu.memory_space<hbm>>, %arg3: memref<2500x1x128xi32, #tpu.memory_space<hbm>>, %arg4: memref<10000x128xf32, #tpu.memory_space<hbm>>, %arg5: memref<10000x128xf32, #tpu.memory_space<hbm>>, %arg6: memref<2x10000x128xf32, #tpu.memory_space<hbm>>, %arg7: memref<2x1x128xi32, #tpu.memory_space<vmem>>, %arg8: memref<2x1x128xi32, #tpu.memory_space<vmem>>, %arg9: memref<2x1x128xi32, #tpu.memory_space<vmem>>, %arg10: memref<2x1x128xi32, #tpu.memory_space<vmem>>, %arg11: memref<2x1x128xi32, #tpu.memory_space<vmem>>, %arg12: memref<2x1x128xi32, #tpu.memory_space<vmem>>, %arg13: memref<128x128xf32, #tpu.memory_space<vmem>>, %arg14: memref<128x128xf32, #tpu.memory_space<vmem>>, %arg15: memref<128x128xf32, #tpu.memory_space<vmem>>, %arg16: memref<10000x128xf32, #tpu.memory_space<vmem_shared>>, %arg17: memref<!tpu.dma_semaphore, #tpu.memory_space<semaphore_mem>>, %arg18: memref<!tpu.dma_semaphore, #tpu.memory_space<semaphore_mem>>, %arg19: memref<!tpu.dma_semaphore, #tpu.memory_space<semaphore_mem>>, %arg20: memref<!tpu.dma_semaphore, #tpu.memory_space<semaphore_mem>>, %arg21: memref<!tpu.dma_semaphore, #tpu.memory_space<semaphore_mem>>, %arg22: memref<!tpu.dma_semaphore, #tpu.memory_space<semaphore_mem>>, %arg23: memref<!tpu.dma_semaphore, #tpu.memory_space<semaphore_mem>>, %arg24: memref<!tpu.dma_semaphore, #tpu.memory_space<semaphore_mem>>, %arg25: memref<!tpu.dma_semaphore, #tpu.memory_space<semaphore_mem>>) attributes {dimension_semantics = [#tpu.dimension_semantics<core_parallel>, #tpu.dimension_semantics<subcore_parallel>], iteration_bounds = array<i64: 2, 16>, scalar_prefetch = 0 : i64, scratch_operands = 19 : i64, tpu.core_type = #tpu.core_type<sc_vector_subcore>, window_params = [{transform_indices = #map}, {transform_indices = #map}, {transform_indices = #map1}, {transform_indices = #map1}, {transform_indices = #map}]} {
    %mul3A = arith.constant 2 : i32
    %mul3A_0 = arith.muli %arg1, %mul3A : i32
    %add3A = arith.addi %mul3A_0, %arg0 : i32
    %mul3A_1 = arith.constant 632 : i32
    %mul3A_2 = arith.muli %arg1, %mul3A_1 : i32
    %lt3A = arith.constant 15 : i32
    %lt3A_3 = arith.cmpi slt, %arg1, %lt3A : i32
    %convert_element_type3A = arith.extui %lt3A_3 : i1 to i32
    %cond3A = arith.constant 0 : i32
    %cond3A_4 = arith.cmpi ne, %convert_element_type3A, %cond3A : i32
    scf.if %cond3A_4 {
      "tpu.region"() ({
        %run_scoped3A = tpu.sem_alloc : memref<!tpu.dma_semaphore, #tpu.memory_space<semaphore_mem>>
        %dma_start3A_111 = arith.constant 0 : i32
        %dma_start3A_112 = tpu.memref_slice %arg16[%mul3A_2, %dma_start3A_111] : memref<10000x128xf32, #tpu.memory_space<vmem_shared>> -> memref<632x128xf32, #tpu.memory_space<vmem_shared>>
        %dma_start3A_113 = arith.constant 0 : i32
        %dma_start3A_114 = tpu.memref_slice %arg5[%mul3A_2, %dma_start3A_113] : memref<10000x128xf32, #tpu.memory_space<hbm>> -> memref<632x128xf32, #tpu.memory_space<hbm>>
        tpu.enqueue_dma source(%dma_start3A_114 : memref<632x128xf32, #tpu.memory_space<hbm>>) target(%dma_start3A_112 : memref<632x128xf32, #tpu.memory_space<vmem_shared>>) target_semaphore(%run_scoped3A : memref<!tpu.dma_semaphore, #tpu.memory_space<semaphore_mem>>)
        %dma_wait3A_115 = arith.constant 0 : i32
        %dma_wait3A_116 = tpu.memref_slice %arg16[%mul3A_2, %dma_wait3A_115] : memref<10000x128xf32, #tpu.memory_space<vmem_shared>> -> memref<632x128xf32, #tpu.memory_space<vmem_shared>>
        %dma_wait3A_117 = arith.constant 0 : i32
        %dma_wait3A_118 = tpu.memref_slice %arg5[%mul3A_2, %dma_wait3A_117] : memref<10000x128xf32, #tpu.memory_space<hbm>> -> memref<632x128xf32, #tpu.memory_space<hbm>>
        tpu.wait_dma2 semaphore(%run_scoped3A : memref<!tpu.dma_semaphore, #tpu.memory_space<semaphore_mem>>) src(%dma_wait3A_118 : memref<632x128xf32, #tpu.memory_space<hbm>>) dst(%dma_wait3A_116 : memref<632x128xf32, #tpu.memory_space<vmem_shared>>)
        tpu.yield
      }) : () -> ()
    } else {
    }
    %eq3A = arith.constant 15 : i32
    %eq3A_5 = arith.cmpi eq, %arg1, %eq3A : i32
    %convert_element_type3A_6 = arith.extui %eq3A_5 : i1 to i32
    %cond3A_7 = arith.constant 0 : i32
    %cond3A_8 = arith.cmpi ne, %convert_element_type3A_6, %cond3A_7 : i32
    scf.if %cond3A_8 {
      "tpu.region"() ({
        %run_scoped3A = tpu.sem_alloc : memref<!tpu.dma_semaphore, #tpu.memory_space<semaphore_mem>>
        %dma_start3A_111 = arith.constant 0 : i32
        %dma_start3A_112 = tpu.memref_slice %arg16[%mul3A_2, %dma_start3A_111] : memref<10000x128xf32, #tpu.memory_space<vmem_shared>> -> memref<520x128xf32, #tpu.memory_space<vmem_shared>>
        %dma_start3A_113 = arith.constant 0 : i32
        %dma_start3A_114 = tpu.memref_slice %arg5[%mul3A_2, %dma_start3A_113] : memref<10000x128xf32, #tpu.memory_space<hbm>> -> memref<520x128xf32, #tpu.memory_space<hbm>>
        tpu.enqueue_dma source(%dma_start3A_114 : memref<520x128xf32, #tpu.memory_space<hbm>>) target(%dma_start3A_112 : memref<520x128xf32, #tpu.memory_space<vmem_shared>>) target_semaphore(%run_scoped3A : memref<!tpu.dma_semaphore, #tpu.memory_space<semaphore_mem>>)
        %dma_wait3A_115 = arith.constant 0 : i32
        %dma_wait3A_116 = tpu.memref_slice %arg16[%mul3A_2, %dma_wait3A_115] : memref<10000x128xf32, #tpu.memory_space<vmem_shared>> -> memref<520x128xf32, #tpu.memory_space<vmem_shared>>
        %dma_wait3A_117 = arith.constant 0 : i32
        %dma_wait3A_118 = tpu.memref_slice %arg5[%mul3A_2, %dma_wait3A_117] : memref<10000x128xf32, #tpu.memory_space<hbm>> -> memref<520x128xf32, #tpu.memory_space<hbm>>
        tpu.wait_dma2 semaphore(%run_scoped3A : memref<!tpu.dma_semaphore, #tpu.memory_space<semaphore_mem>>) src(%dma_wait3A_118 : memref<520x128xf32, #tpu.memory_space<hbm>>) dst(%dma_wait3A_116 : memref<520x128xf32, #tpu.memory_space<vmem_shared>>)
        tpu.yield
      }) : () -> ()
    } else {
    }
    %barrier3A = arith.constant 0 : index
    tpu.barrier barrier_id(%barrier3A)
    %lt3A_9 = arith.constant 4 : i32
    %lt3A_10 = arith.cmpi slt, %add3A, %lt3A_9 : i32
    %mul3A_11 = arith.constant 78 : i32
    %mul3A_12 = arith.muli %add3A, %mul3A_11 : i32
    %min3A = arith.constant 4 : i32
    %min3A_13 = arith.minsi %add3A, %min3A : i32
    %add3A_14 = arith.addi %mul3A_12, %min3A_13 : i32
    %convert_element_type3A_15 = arith.extui %lt3A_10 : i1 to i32
    %add3A_16 = arith.constant 78 : i32
    %add3A_17 = arith.addi %add3A_16, %convert_element_type3A_15 : i32
    %add3A_18 = arith.constant 0 : i32
    %add3A_19 = arith.addi %add3A_14, %add3A_18 : i32
    %dma_start3A = arith.constant 0 : i32
    %dma_start3A_20 = arith.constant 0 : i32
    %dma_start3A_21 = tpu.memref_slice %arg2[%add3A_19, %dma_start3A, %dma_start3A_20] : memref<2500x1x128xi32, #tpu.memory_space<hbm>> -> memref<2x1x128xi32, #tpu.memory_space<hbm>>
    %dma_start3A_22 = arith.constant 0 : i32
    %dma_start3A_23 = arith.constant 0 : i32
    %dma_start3A_24 = tpu.memref_slice %arg2[%add3A_19, %dma_start3A_22, %dma_start3A_23] : memref<2500x1x128xi32, #tpu.memory_space<hbm>> -> memref<2x1x128xi32, #tpu.memory_space<hbm>>
    tpu.enqueue_dma source(%dma_start3A_24 : memref<2x1x128xi32, #tpu.memory_space<hbm>>) target(%arg7 : memref<2x1x128xi32, #tpu.memory_space<vmem>>) target_semaphore(%arg23 : memref<!tpu.dma_semaphore, #tpu.memory_space<semaphore_mem>>)
    %dma_start3A_25 = arith.constant 0 : i32
    %dma_start3A_26 = arith.constant 0 : i32
    %dma_start3A_27 = tpu.memref_slice %arg3[%add3A_19, %dma_start3A_25, %dma_start3A_26] : memref<2500x1x128xi32, #tpu.memory_space<hbm>> -> memref<2x1x128xi32, #tpu.memory_space<hbm>>
    %dma_start3A_28 = arith.constant 0 : i32
    %dma_start3A_29 = arith.constant 0 : i32
    %dma_start3A_30 = tpu.memref_slice %arg3[%add3A_19, %dma_start3A_28, %dma_start3A_29] : memref<2500x1x128xi32, #tpu.memory_space<hbm>> -> memref<2x1x128xi32, #tpu.memory_space<hbm>>
    tpu.enqueue_dma source(%dma_start3A_30 : memref<2x1x128xi32, #tpu.memory_space<hbm>>) target(%arg10 : memref<2x1x128xi32, #tpu.memory_space<vmem>>) target_semaphore(%arg23 : memref<!tpu.dma_semaphore, #tpu.memory_space<semaphore_mem>>)
    %add3A_31 = arith.constant 2 : i32
    %add3A_32 = arith.addi %add3A_14, %add3A_31 : i32
    %dma_start3A_33 = arith.constant 0 : i32
    %dma_start3A_34 = arith.constant 0 : i32
    %dma_start3A_35 = tpu.memref_slice %arg2[%add3A_32, %dma_start3A_33, %dma_start3A_34] : memref<2500x1x128xi32, #tpu.memory_space<hbm>> -> memref<2x1x128xi32, #tpu.memory_space<hbm>>
    %dma_start3A_36 = arith.constant 0 : i32
    %dma_start3A_37 = arith.constant 0 : i32
    %dma_start3A_38 = tpu.memref_slice %arg2[%add3A_32, %dma_start3A_36, %dma_start3A_37] : memref<2500x1x128xi32, #tpu.memory_space<hbm>> -> memref<2x1x128xi32, #tpu.memory_space<hbm>>
    tpu.enqueue_dma source(%dma_start3A_38 : memref<2x1x128xi32, #tpu.memory_space<hbm>>) target(%arg8 : memref<2x1x128xi32, #tpu.memory_space<vmem>>) target_semaphore(%arg24 : memref<!tpu.dma_semaphore, #tpu.memory_space<semaphore_mem>>)
    %dma_start3A_39 = arith.constant 0 : i32
    %dma_start3A_40 = arith.constant 0 : i32
    %dma_start3A_41 = tpu.memref_slice %arg3[%add3A_32, %dma_start3A_39, %dma_start3A_40] : memref<2500x1x128xi32, #tpu.memory_space<hbm>> -> memref<2x1x128xi32, #tpu.memory_space<hbm>>
    %dma_start3A_42 = arith.constant 0 : i32
    %dma_start3A_43 = arith.constant 0 : i32
    %dma_start3A_44 = tpu.memref_slice %arg3[%add3A_32, %dma_start3A_42, %dma_start3A_43] : memref<2500x1x128xi32, #tpu.memory_space<hbm>> -> memref<2x1x128xi32, #tpu.memory_space<hbm>>
    tpu.enqueue_dma source(%dma_start3A_44 : memref<2x1x128xi32, #tpu.memory_space<hbm>>) target(%arg11 : memref<2x1x128xi32, #tpu.memory_space<vmem>>) target_semaphore(%arg24 : memref<!tpu.dma_semaphore, #tpu.memory_space<semaphore_mem>>)
    %add3A_45 = arith.constant 4 : i32
    %add3A_46 = arith.addi %add3A_14, %add3A_45 : i32
    %dma_start3A_47 = arith.constant 0 : i32
    %dma_start3A_48 = arith.constant 0 : i32
    %dma_start3A_49 = tpu.memref_slice %arg2[%add3A_46, %dma_start3A_47, %dma_start3A_48] : memref<2500x1x128xi32, #tpu.memory_space<hbm>> -> memref<2x1x128xi32, #tpu.memory_space<hbm>>
    %dma_start3A_50 = arith.constant 0 : i32
    %dma_start3A_51 = arith.constant 0 : i32
    %dma_start3A_52 = tpu.memref_slice %arg2[%add3A_46, %dma_start3A_50, %dma_start3A_51] : memref<2500x1x128xi32, #tpu.memory_space<hbm>> -> memref<2x1x128xi32, #tpu.memory_space<hbm>>
    tpu.enqueue_dma source(%dma_start3A_52 : memref<2x1x128xi32, #tpu.memory_space<hbm>>) target(%arg9 : memref<2x1x128xi32, #tpu.memory_space<vmem>>) target_semaphore(%arg25 : memref<!tpu.dma_semaphore, #tpu.memory_space<semaphore_mem>>)
    %dma_start3A_53 = arith.constant 0 : i32
    %dma_start3A_54 = arith.constant 0 : i32
    %dma_start3A_55 = tpu.memref_slice %arg3[%add3A_46, %dma_start3A_53, %dma_start3A_54] : memref<2500x1x128xi32, #tpu.memory_space<hbm>> -> memref<2x1x128xi32, #tpu.memory_space<hbm>>
    %dma_start3A_56 = arith.constant 0 : i32
    %dma_start3A_57 = arith.constant 0 : i32
    %dma_start3A_58 = tpu.memref_slice %arg3[%add3A_46, %dma_start3A_56, %dma_start3A_57] : memref<2500x1x128xi32, #tpu.memory_space<hbm>> -> memref<2x1x128xi32, #tpu.memory_space<hbm>>
    tpu.enqueue_dma source(%dma_start3A_58 : memref<2x1x128xi32, #tpu.memory_space<hbm>>) target(%arg12 : memref<2x1x128xi32, #tpu.memory_space<vmem>>) target_semaphore(%arg25 : memref<!tpu.dma_semaphore, #tpu.memory_space<semaphore_mem>>)
    %add3A_59 = arith.constant 0 : i32
    %add3A_60 = arith.addi %add3A_14, %add3A_59 : i32
    %dma_wait3A = arith.constant 0 : i32
    %dma_wait3A_61 = arith.constant 0 : i32
    %dma_wait3A_62 = tpu.memref_slice %arg2[%add3A_60, %dma_wait3A, %dma_wait3A_61] : memref<2500x1x128xi32, #tpu.memory_space<hbm>> -> memref<2x1x128xi32, #tpu.memory_space<hbm>>
    %dma_wait3A_63 = arith.constant 0 : i32
    %dma_wait3A_64 = arith.constant 0 : i32
    %dma_wait3A_65 = tpu.memref_slice %arg2[%add3A_60, %dma_wait3A_63, %dma_wait3A_64] : memref<2500x1x128xi32, #tpu.memory_space<hbm>> -> memref<2x1x128xi32, #tpu.memory_space<hbm>>
    tpu.wait_dma2 semaphore(%arg23 : memref<!tpu.dma_semaphore, #tpu.memory_space<semaphore_mem>>) src(%dma_wait3A_65 : memref<2x1x128xi32, #tpu.memory_space<hbm>>) dst(%arg7 : memref<2x1x128xi32, #tpu.memory_space<vmem>>)
    %dma_wait3A_66 = arith.constant 0 : i32
    %dma_wait3A_67 = arith.constant 0 : i32
    %dma_wait3A_68 = tpu.memref_slice %arg3[%add3A_60, %dma_wait3A_66, %dma_wait3A_67] : memref<2500x1x128xi32, #tpu.memory_space<hbm>> -> memref<2x1x128xi32, #tpu.memory_space<hbm>>
    %dma_wait3A_69 = arith.constant 0 : i32
    %dma_wait3A_70 = arith.constant 0 : i32
    %dma_wait3A_71 = tpu.memref_slice %arg3[%add3A_60, %dma_wait3A_69, %dma_wait3A_70] : memref<2500x1x128xi32, #tpu.memory_space<hbm>> -> memref<2x1x128xi32, #tpu.memory_space<hbm>>
    tpu.wait_dma2 semaphore(%arg23 : memref<!tpu.dma_semaphore, #tpu.memory_space<semaphore_mem>>) src(%dma_wait3A_71 : memref<2x1x128xi32, #tpu.memory_space<hbm>>) dst(%arg10 : memref<2x1x128xi32, #tpu.memory_space<vmem>>)
    %dma_start3A_72 = arith.constant 0 : i32
    %dma_start3A_73 = arith.constant 0 : i32
    %dma_start3A_74 = arith.constant 0 : i32
    %dma_start3A_75 = tpu.memref_slice %arg7[%dma_start3A_72, %dma_start3A_73, %dma_start3A_74] : memref<2x1x128xi32, #tpu.memory_space<vmem>> -> memref<1x1x128xi32, #tpu.memory_space<vmem>>
    %dma_start3A_76 = tpu.memref_squeeze %dma_start3A_75 : memref<1x1x128xi32, #tpu.memory_space<vmem>> -> memref<128xi32, #tpu.memory_space<vmem>>
    %dma_start3A_77 = arith.constant 0 : i32
    %dma_start3A_78 = arith.constant 0 : i32
    %dma_start3A_79 = tpu.memref_slice %arg4[%dma_start3A_77, %dma_start3A_78] : memref<10000x128xf32, #tpu.memory_space<hbm>> -> memref<10000x128xf32, #tpu.memory_space<hbm>>
    tpu.enqueue_indirect_dma source(%dma_start3A_79 : memref<10000x128xf32, #tpu.memory_space<hbm>>) target(%arg13 : memref<128x128xf32, #tpu.memory_space<vmem>>) offsets(%dma_start3A_76 : memref<128xi32, #tpu.memory_space<vmem>>) semaphore(%arg17 : memref<!tpu.dma_semaphore, #tpu.memory_space<semaphore_mem>>)
    %dma_start3A_80 = arith.constant 1 : i32
    %dma_start3A_81 = arith.constant 0 : i32
    %dma_start3A_82 = arith.constant 0 : i32
    %dma_start3A_83 = tpu.memref_slice %arg7[%dma_start3A_80, %dma_start3A_81, %dma_start3A_82] : memref<2x1x128xi32, #tpu.memory_space<vmem>> -> memref<1x1x128xi32, #tpu.memory_space<vmem>>
    %dma_start3A_84 = tpu.memref_squeeze %dma_start3A_83 : memref<1x1x128xi32, #tpu.memory_space<vmem>> -> memref<128xi32, #tpu.memory_space<vmem>>
    %dma_start3A_85 = arith.constant 0 : i32
    %dma_start3A_86 = arith.constant 0 : i32
    %dma_start3A_87 = tpu.memref_slice %arg4[%dma_start3A_85, %dma_start3A_86] : memref<10000x128xf32, #tpu.memory_space<hbm>> -> memref<10000x128xf32, #tpu.memory_space<hbm>>
    tpu.enqueue_indirect_dma source(%dma_start3A_87 : memref<10000x128xf32, #tpu.memory_space<hbm>>) target(%arg14 : memref<128x128xf32, #tpu.memory_space<vmem>>) offsets(%dma_start3A_84 : memref<128xi32, #tpu.memory_space<vmem>>) semaphore(%arg18 : memref<!tpu.dma_semaphore, #tpu.memory_space<semaphore_mem>>)
    %scan3A = arith.constant 0 : i32
    %scan3A_88 = arith.constant 0 : i32
    %scan3A_89 = arith.constant 13 : i32
    %scan3A_90 = arith.addi %scan3A_88, %scan3A_89 : i32
    %scan3A_91 = arith.constant 1 : i32
    scf.for %scan3A_111 = %scan3A_88 to %scan3A_90 step %scan3A_91  : i32 {
      %mul3A_112 = arith.constant 6 : i32
      %mul3A_113 = arith.muli %mul3A_112, %scan3A_111 : i32
      %add3A_114 = arith.constant 0 : i32
      %add3A_115 = arith.addi %mul3A_113, %add3A_114 : i32
      %dma_wait3A_116 = arith.constant 0 : i32
      %dma_wait3A_117 = arith.constant 0 : i32
      %dma_wait3A_118 = arith.constant 0 : i32
      %dma_wait3A_119 = tpu.memref_slice %arg7[%dma_wait3A_116, %dma_wait3A_117, %dma_wait3A_118] : memref<2x1x128xi32, #tpu.memory_space<vmem>> -> memref<1x1x128xi32, #tpu.memory_space<vmem>>
      %dma_wait3A_120 = tpu.memref_squeeze %dma_wait3A_119 : memref<1x1x128xi32, #tpu.memory_space<vmem>> -> memref<128xi32, #tpu.memory_space<vmem>>
      %dma_wait3A_121 = arith.constant 0 : i32
      %dma_wait3A_122 = arith.constant 0 : i32
      %dma_wait3A_123 = tpu.memref_slice %arg4[%dma_wait3A_121, %dma_wait3A_122] : memref<10000x128xf32, #tpu.memory_space<hbm>> -> memref<10000x128xf32, #tpu.memory_space<hbm>>
      tpu.wait_indirect_dma semaphore(%arg17 : memref<!tpu.dma_semaphore, #tpu.memory_space<semaphore_mem>>) src(%dma_wait3A_123 : memref<10000x128xf32, #tpu.memory_space<hbm>>) dst(%arg13 : memref<128x128xf32, #tpu.memory_space<vmem>>)
      %dma_start3A_124 = arith.constant 0 : i32
      %dma_start3A_125 = arith.constant 0 : i32
      %dma_start3A_126 = arith.constant 0 : i32
      %dma_start3A_127 = tpu.memref_slice %arg10[%dma_start3A_124, %dma_start3A_125, %dma_start3A_126] : memref<2x1x128xi32, #tpu.memory_space<vmem>> -> memref<1x1x128xi32, #tpu.memory_space<vmem>>
      %dma_start3A_128 = tpu.memref_squeeze %dma_start3A_127 : memref<1x1x128xi32, #tpu.memory_space<vmem>> -> memref<128xi32, #tpu.memory_space<vmem>>
      %dma_start3A_129 = arith.constant 0 : i32
      %dma_start3A_130 = arith.constant 0 : i32
      %dma_start3A_131 = tpu.memref_slice %arg16[%dma_start3A_129, %dma_start3A_130] : memref<10000x128xf32, #tpu.memory_space<vmem_shared>> -> memref<10000x128xf32, #tpu.memory_space<vmem_shared>>
      tpu.enqueue_indirect_dma source(%arg13 : memref<128x128xf32, #tpu.memory_space<vmem>>) target(%dma_start3A_131 : memref<10000x128xf32, #tpu.memory_space<vmem_shared>>) offsets(%dma_start3A_128 : memref<128xi32, #tpu.memory_space<vmem>>) semaphore(%arg20 : memref<!tpu.dma_semaphore, #tpu.memory_space<semaphore_mem>>) {add = true}
      %ge3A = arith.constant 1 : i32
      %ge3A_132 = arith.cmpi sge, %add3A_115, %ge3A : i32
      %convert_element_type3A_133 = arith.extui %ge3A_132 : i1 to i32
      %cond3A_134 = arith.constant 0 : i32
      %cond3A_135 = arith.cmpi ne, %convert_element_type3A_133, %cond3A_134 : i32
      scf.if %cond3A_135 {
        %dma_wait3A_328 = arith.constant 1 : i32
        %dma_wait3A_329 = arith.constant 0 : i32
        %dma_wait3A_330 = arith.constant 0 : i32
        %dma_wait3A_331 = tpu.memref_slice %arg12[%dma_wait3A_328, %dma_wait3A_329, %dma_wait3A_330] : memref<2x1x128xi32, #tpu.memory_space<vmem>> -> memref<1x1x128xi32, #tpu.memory_space<vmem>>
        %dma_wait3A_332 = tpu.memref_squeeze %dma_wait3A_331 : memref<1x1x128xi32, #tpu.memory_space<vmem>> -> memref<128xi32, #tpu.memory_space<vmem>>
        %dma_wait3A_333 = arith.constant 0 : i32
        %dma_wait3A_334 = arith.constant 0 : i32
        %dma_wait3A_335 = tpu.memref_slice %arg16[%dma_wait3A_333, %dma_wait3A_334] : memref<10000x128xf32, #tpu.memory_space<vmem_shared>> -> memref<10000x128xf32, #tpu.memory_space<vmem_shared>>
        tpu.wait_indirect_dma semaphore(%arg22 : memref<!tpu.dma_semaphore, #tpu.memory_space<semaphore_mem>>) src(%arg15 : memref<128x128xf32, #tpu.memory_space<vmem>>) dst(%dma_wait3A_335 : memref<10000x128xf32, #tpu.memory_space<vmem_shared>>)
      } else {
      }
      %add3A_136 = arith.constant 2 : i32
      %add3A_137 = arith.addi %add3A_115, %add3A_136 : i32
      %lt3A_138 = arith.cmpi slt, %add3A_137, %add3A_17 : i32
      %convert_element_type3A_139 = arith.extui %lt3A_138 : i1 to i32
      %cond3A_140 = arith.constant 0 : i32
      %cond3A_141 = arith.cmpi ne, %convert_element_type3A_139, %cond3A_140 : i32
      scf.if %cond3A_141 {
        %add3A_328 = arith.constant 2 : i32
        %add3A_329 = arith.addi %add3A_115, %add3A_328 : i32
        %jit3A = arith.constant 2 : i32
        %div3A = arith.divsi %add3A_329, %jit3A : i32
        %sign3A = arith.constant 0 : i32
        %sign3A_330 = arith.cmpi sgt, %add3A_329, %sign3A : i32
        %sign3A_331 = arith.extui %sign3A_330 : i1 to i32
        %sign3A_332 = arith.constant 0 : i32
        %sign3A_333 = arith.cmpi slt, %add3A_329, %sign3A_332 : i32
        %sign3A_334 = arith.extui %sign3A_333 : i1 to i32
        %sign3A_335 = arith.subi %sign3A_331, %sign3A_334 : i32
        %sign3A_336 = arith.constant 0 : i32
        %sign3A_337 = arith.cmpi sgt, %jit3A, %sign3A_336 : i32
        %sign3A_338 = arith.extui %sign3A_337 : i1 to i32
        %sign3A_339 = arith.constant 0 : i32
        %sign3A_340 = arith.cmpi slt, %jit3A, %sign3A_339 : i32
        %sign3A_341 = arith.extui %sign3A_340 : i1 to i32
        %sign3A_342 = arith.subi %sign3A_338, %sign3A_341 : i32
        %ne3A = arith.cmpi ne, %sign3A_335, %sign3A_342 : i32
        %rem3A = arith.remsi %add3A_329, %jit3A : i32
        %ne3A_343 = arith.constant 0 : i32
        %ne3A_344 = arith.cmpi ne, %rem3A, %ne3A_343 : i32
        %and3A_345 = arith.andi %ne3A, %ne3A_344 : i1
        %sub3A = arith.constant 1 : i32
        %sub3A_346 = arith.subi %div3A, %sub3A : i32
        %select_n3A = arith.select %and3A_345, %sub3A_346, %div3A : i32
        %mul3A_347 = arith.constant 2 : i32
        %mul3A_348 = arith.muli %mul3A_347, %select_n3A : i32
        %add3A_349 = arith.addi %add3A_14, %mul3A_348 : i32
        %dma_wait3A_350 = arith.constant 0 : i32
        %dma_wait3A_351 = arith.constant 0 : i32
        %dma_wait3A_352 = tpu.memref_slice %arg2[%add3A_349, %dma_wait3A_350, %dma_wait3A_351] : memref<2500x1x128xi32, #tpu.memory_space<hbm>> -> memref<2x1x128xi32, #tpu.memory_space<hbm>>
        %dma_wait3A_353 = arith.constant 0 : i32
        %dma_wait3A_354 = arith.constant 0 : i32
        %dma_wait3A_355 = tpu.memref_slice %arg2[%add3A_349, %dma_wait3A_353, %dma_wait3A_354] : memref<2500x1x128xi32, #tpu.memory_space<hbm>> -> memref<2x1x128xi32, #tpu.memory_space<hbm>>
        tpu.wait_dma2 semaphore(%arg24 : memref<!tpu.dma_semaphore, #tpu.memory_space<semaphore_mem>>) src(%dma_wait3A_355 : memref<2x1x128xi32, #tpu.memory_space<hbm>>) dst(%arg8 : memref<2x1x128xi32, #tpu.memory_space<vmem>>)
        %dma_wait3A_356 = arith.constant 0 : i32
        %dma_wait3A_357 = arith.constant 0 : i32
        %dma_wait3A_358 = tpu.memref_slice %arg3[%add3A_349, %dma_wait3A_356, %dma_wait3A_357] : memref<2500x1x128xi32, #tpu.memory_space<hbm>> -> memref<2x1x128xi32, #tpu.memory_space<hbm>>
        %dma_wait3A_359 = arith.constant 0 : i32
        %dma_wait3A_360 = arith.constant 0 : i32
        %dma_wait3A_361 = tpu.memref_slice %arg3[%add3A_349, %dma_wait3A_359, %dma_wait3A_360] : memref<2500x1x128xi32, #tpu.memory_space<hbm>> -> memref<2x1x128xi32, #tpu.memory_space<hbm>>
        tpu.wait_dma2 semaphore(%arg24 : memref<!tpu.dma_semaphore, #tpu.memory_space<semaphore_mem>>) src(%dma_wait3A_361 : memref<2x1x128xi32, #tpu.memory_space<hbm>>) dst(%arg11 : memref<2x1x128xi32, #tpu.memory_space<vmem>>)
        %dma_start3A_362 = arith.constant 0 : i32
        %dma_start3A_363 = arith.constant 0 : i32
        %dma_start3A_364 = arith.constant 0 : i32
        %dma_start3A_365 = tpu.memref_slice %arg8[%dma_start3A_362, %dma_start3A_363, %dma_start3A_364] : memref<2x1x128xi32, #tpu.memory_space<vmem>> -> memref<1x1x128xi32, #tpu.memory_space<vmem>>
        %dma_start3A_366 = tpu.memref_squeeze %dma_start3A_365 : memref<1x1x128xi32, #tpu.memory_space<vmem>> -> memref<128xi32, #tpu.memory_space<vmem>>
        %dma_start3A_367 = arith.constant 0 : i32
        %dma_start3A_368 = arith.constant 0 : i32
        %dma_start3A_369 = tpu.memref_slice %arg4[%dma_start3A_367, %dma_start3A_368] : memref<10000x128xf32, #tpu.memory_space<hbm>> -> memref<10000x128xf32, #tpu.memory_space<hbm>>
        tpu.enqueue_indirect_dma source(%dma_start3A_369 : memref<10000x128xf32, #tpu.memory_space<hbm>>) target(%arg15 : memref<128x128xf32, #tpu.memory_space<vmem>>) offsets(%dma_start3A_366 : memref<128xi32, #tpu.memory_space<vmem>>) semaphore(%arg19 : memref<!tpu.dma_semaphore, #tpu.memory_space<semaphore_mem>>)
      } else {
      }
      %ge3A_142 = arith.constant 2 : i32
      %ge3A_143 = arith.cmpi sge, %add3A_115, %ge3A_142 : i32
      %add3A_144 = arith.constant 4 : i32
      %add3A_145 = arith.addi %add3A_115, %add3A_144 : i32
      %lt3A_146 = arith.cmpi slt, %add3A_145, %add3A_17 : i32
      %and3A = arith.andi %ge3A_143, %lt3A_146 : i1
      %convert_element_type3A_147 = arith.extui %and3A : i1 to i32
      %cond3A_148 = arith.constant 0 : i32
      %cond3A_149 = arith.cmpi ne, %convert_element_type3A_147, %cond3A_148 : i32
      scf.if %cond3A_149 {
        %jit3A = arith.constant 2 : i32
        %div3A = arith.divsi %add3A_115, %jit3A : i32
        %sign3A = arith.constant 0 : i32
        %sign3A_328 = arith.cmpi sgt, %add3A_115, %sign3A : i32
        %sign3A_329 = arith.extui %sign3A_328 : i1 to i32
        %sign3A_330 = arith.constant 0 : i32
        %sign3A_331 = arith.cmpi slt, %add3A_115, %sign3A_330 : i32
        %sign3A_332 = arith.extui %sign3A_331 : i1 to i32
        %sign3A_333 = arith.subi %sign3A_329, %sign3A_332 : i32
        %sign3A_334 = arith.constant 0 : i32
        %sign3A_335 = arith.cmpi sgt, %jit3A, %sign3A_334 : i32
        %sign3A_336 = arith.extui %sign3A_335 : i1 to i32
        %sign3A_337 = arith.constant 0 : i32
        %sign3A_338 = arith.cmpi slt, %jit3A, %sign3A_337 : i32
        %sign3A_339 = arith.extui %sign3A_338 : i1 to i32
        %sign3A_340 = arith.subi %sign3A_336, %sign3A_339 : i32
        %ne3A = arith.cmpi ne, %sign3A_333, %sign3A_340 : i32
        %rem3A = arith.remsi %add3A_115, %jit3A : i32
        %ne3A_341 = arith.constant 0 : i32
        %ne3A_342 = arith.cmpi ne, %rem3A, %ne3A_341 : i32
        %and3A_343 = arith.andi %ne3A, %ne3A_342 : i1
        %sub3A = arith.constant 1 : i32
        %sub3A_344 = arith.subi %div3A, %sub3A : i32
        %select_n3A = arith.select %and3A_343, %sub3A_344, %div3A : i32
        %add3A_345 = arith.constant 2 : i32
        %add3A_346 = arith.addi %select_n3A, %add3A_345 : i32
        %mul3A_347 = arith.constant 2 : i32
        %mul3A_348 = arith.muli %mul3A_347, %add3A_346 : i32
        %add3A_349 = arith.addi %add3A_14, %mul3A_348 : i32
        %dma_start3A_350 = arith.constant 0 : i32
        %dma_start3A_351 = arith.constant 0 : i32
        %dma_start3A_352 = tpu.memref_slice %arg2[%add3A_349, %dma_start3A_350, %dma_start3A_351] : memref<2500x1x128xi32, #tpu.memory_space<hbm>> -> memref<2x1x128xi32, #tpu.memory_space<hbm>>
        %dma_start3A_353 = arith.constant 0 : i32
        %dma_start3A_354 = arith.constant 0 : i32
        %dma_start3A_355 = tpu.memref_slice %arg2[%add3A_349, %dma_start3A_353, %dma_start3A_354] : memref<2500x1x128xi32, #tpu.memory_space<hbm>> -> memref<2x1x128xi32, #tpu.memory_space<hbm>>
        tpu.enqueue_dma source(%dma_start3A_355 : memref<2x1x128xi32, #tpu.memory_space<hbm>>) target(%arg9 : memref<2x1x128xi32, #tpu.memory_space<vmem>>) target_semaphore(%arg25 : memref<!tpu.dma_semaphore, #tpu.memory_space<semaphore_mem>>)
        %dma_start3A_356 = arith.constant 0 : i32
        %dma_start3A_357 = arith.constant 0 : i32
        %dma_start3A_358 = tpu.memref_slice %arg3[%add3A_349, %dma_start3A_356, %dma_start3A_357] : memref<2500x1x128xi32, #tpu.memory_space<hbm>> -> memref<2x1x128xi32, #tpu.memory_space<hbm>>
        %dma_start3A_359 = arith.constant 0 : i32
        %dma_start3A_360 = arith.constant 0 : i32
        %dma_start3A_361 = tpu.memref_slice %arg3[%add3A_349, %dma_start3A_359, %dma_start3A_360] : memref<2500x1x128xi32, #tpu.memory_space<hbm>> -> memref<2x1x128xi32, #tpu.memory_space<hbm>>
        tpu.enqueue_dma source(%dma_start3A_361 : memref<2x1x128xi32, #tpu.memory_space<hbm>>) target(%arg12 : memref<2x1x128xi32, #tpu.memory_space<vmem>>) target_semaphore(%arg25 : memref<!tpu.dma_semaphore, #tpu.memory_space<semaphore_mem>>)
      } else {
      }
      %add3A_150 = arith.constant 1 : i32
      %add3A_151 = arith.addi %mul3A_113, %add3A_150 : i32
      %dma_wait3A_152 = arith.constant 1 : i32
      %dma_wait3A_153 = arith.constant 0 : i32
      %dma_wait3A_154 = arith.constant 0 : i32
      %dma_wait3A_155 = tpu.memref_slice %arg7[%dma_wait3A_152, %dma_wait3A_153, %dma_wait3A_154] : memref<2x1x128xi32, #tpu.memory_space<vmem>> -> memref<1x1x128xi32, #tpu.memory_space<vmem>>
      %dma_wait3A_156 = tpu.memref_squeeze %dma_wait3A_155 : memref<1x1x128xi32, #tpu.memory_space<vmem>> -> memref<128xi32, #tpu.memory_space<vmem>>
      %dma_wait3A_157 = arith.constant 0 : i32
      %dma_wait3A_158 = arith.constant 0 : i32
      %dma_wait3A_159 = tpu.memref_slice %arg4[%dma_wait3A_157, %dma_wait3A_158] : memref<10000x128xf32, #tpu.memory_space<hbm>> -> memref<10000x128xf32, #tpu.memory_space<hbm>>
      tpu.wait_indirect_dma semaphore(%arg18 : memref<!tpu.dma_semaphore, #tpu.memory_space<semaphore_mem>>) src(%dma_wait3A_159 : memref<10000x128xf32, #tpu.memory_space<hbm>>) dst(%arg14 : memref<128x128xf32, #tpu.memory_space<vmem>>)
      %dma_start3A_160 = arith.constant 1 : i32
      %dma_start3A_161 = arith.constant 0 : i32
      %dma_start3A_162 = arith.constant 0 : i32
      %dma_start3A_163 = tpu.memref_slice %arg10[%dma_start3A_160, %dma_start3A_161, %dma_start3A_162] : memref<2x1x128xi32, #tpu.memory_space<vmem>> -> memref<1x1x128xi32, #tpu.memory_space<vmem>>
      %dma_start3A_164 = tpu.memref_squeeze %dma_start3A_163 : memref<1x1x128xi32, #tpu.memory_space<vmem>> -> memref<128xi32, #tpu.memory_space<vmem>>
      %dma_start3A_165 = arith.constant 0 : i32
      %dma_start3A_166 = arith.constant 0 : i32
      %dma_start3A_167 = tpu.memref_slice %arg16[%dma_start3A_165, %dma_start3A_166] : memref<10000x128xf32, #tpu.memory_space<vmem_shared>> -> memref<10000x128xf32, #tpu.memory_space<vmem_shared>>
      tpu.enqueue_indirect_dma source(%arg14 : memref<128x128xf32, #tpu.memory_space<vmem>>) target(%dma_start3A_167 : memref<10000x128xf32, #tpu.memory_space<vmem_shared>>) offsets(%dma_start3A_164 : memref<128xi32, #tpu.memory_space<vmem>>) semaphore(%arg21 : memref<!tpu.dma_semaphore, #tpu.memory_space<semaphore_mem>>) {add = true}
      %dma_wait3A_168 = arith.constant 0 : i32
      %dma_wait3A_169 = arith.constant 0 : i32
      %dma_wait3A_170 = arith.constant 0 : i32
      %dma_wait3A_171 = tpu.memref_slice %arg10[%dma_wait3A_168, %dma_wait3A_169, %dma_wait3A_170] : memref<2x1x128xi32, #tpu.memory_space<vmem>> -> memref<1x1x128xi32, #tpu.memory_space<vmem>>
      %dma_wait3A_172 = tpu.memref_squeeze %dma_wait3A_171 : memref<1x1x128xi32, #tpu.memory_space<vmem>> -> memref<128xi32, #tpu.memory_space<vmem>>
      %dma_wait3A_173 = arith.constant 0 : i32
      %dma_wait3A_174 = arith.constant 0 : i32
      %dma_wait3A_175 = tpu.memref_slice %arg16[%dma_wait3A_173, %dma_wait3A_174] : memref<10000x128xf32, #tpu.memory_space<vmem_shared>> -> memref<10000x128xf32, #tpu.memory_space<vmem_shared>>
      tpu.wait_indirect_dma semaphore(%arg20 : memref<!tpu.dma_semaphore, #tpu.memory_space<semaphore_mem>>) src(%arg13 : memref<128x128xf32, #tpu.memory_space<vmem>>) dst(%dma_wait3A_175 : memref<10000x128xf32, #tpu.memory_space<vmem_shared>>)
      %add3A_176 = arith.constant 2 : i32
      %add3A_177 = arith.addi %add3A_151, %add3A_176 : i32
      %lt3A_178 = arith.cmpi slt, %add3A_177, %add3A_17 : i32
      %convert_element_type3A_179 = arith.extui %lt3A_178 : i1 to i32
      %cond3A_180 = arith.constant 0 : i32
      %cond3A_181 = arith.cmpi ne, %convert_element_type3A_179, %cond3A_180 : i32
      scf.if %cond3A_181 {
        %dma_start3A_328 = arith.constant 1 : i32
        %dma_start3A_329 = arith.constant 0 : i32
        %dma_start3A_330 = arith.constant 0 : i32
        %dma_start3A_331 = tpu.memref_slice %arg8[%dma_start3A_328, %dma_start3A_329, %dma_start3A_330] : memref<2x1x128xi32, #tpu.memory_space<vmem>> -> memref<1x1x128xi32, #tpu.memory_space<vmem>>
        %dma_start3A_332 = tpu.memref_squeeze %dma_start3A_331 : memref<1x1x128xi32, #tpu.memory_space<vmem>> -> memref<128xi32, #tpu.memory_space<vmem>>
        %dma_start3A_333 = arith.constant 0 : i32
        %dma_start3A_334 = arith.constant 0 : i32
        %dma_start3A_335 = tpu.memref_slice %arg4[%dma_start3A_333, %dma_start3A_334] : memref<10000x128xf32, #tpu.memory_space<hbm>> -> memref<10000x128xf32, #tpu.memory_space<hbm>>
        tpu.enqueue_indirect_dma source(%dma_start3A_335 : memref<10000x128xf32, #tpu.memory_space<hbm>>) target(%arg13 : memref<128x128xf32, #tpu.memory_space<vmem>>) offsets(%dma_start3A_332 : memref<128xi32, #tpu.memory_space<vmem>>) semaphore(%arg17 : memref<!tpu.dma_semaphore, #tpu.memory_space<semaphore_mem>>)
      } else {
      }
      %add3A_182 = arith.constant 2 : i32
      %add3A_183 = arith.addi %mul3A_113, %add3A_182 : i32
      %dma_wait3A_184 = arith.constant 0 : i32
      %dma_wait3A_185 = arith.constant 0 : i32
      %dma_wait3A_186 = arith.constant 0 : i32
      %dma_wait3A_187 = tpu.memref_slice %arg8[%dma_wait3A_184, %dma_wait3A_185, %dma_wait3A_186] : memref<2x1x128xi32, #tpu.memory_space<vmem>> -> memref<1x1x128xi32, #tpu.memory_space<vmem>>
      %dma_wait3A_188 = tpu.memref_squeeze %dma_wait3A_187 : memref<1x1x128xi32, #tpu.memory_space<vmem>> -> memref<128xi32, #tpu.memory_space<vmem>>
      %dma_wait3A_189 = arith.constant 0 : i32
      %dma_wait3A_190 = arith.constant 0 : i32
      %dma_wait3A_191 = tpu.memref_slice %arg4[%dma_wait3A_189, %dma_wait3A_190] : memref<10000x128xf32, #tpu.memory_space<hbm>> -> memref<10000x128xf32, #tpu.memory_space<hbm>>
      tpu.wait_indirect_dma semaphore(%arg19 : memref<!tpu.dma_semaphore, #tpu.memory_space<semaphore_mem>>) src(%dma_wait3A_191 : memref<10000x128xf32, #tpu.memory_space<hbm>>) dst(%arg15 : memref<128x128xf32, #tpu.memory_space<vmem>>)
      %dma_start3A_192 = arith.constant 0 : i32
      %dma_start3A_193 = arith.constant 0 : i32
      %dma_start3A_194 = arith.constant 0 : i32
      %dma_start3A_195 = tpu.memref_slice %arg11[%dma_start3A_192, %dma_start3A_193, %dma_start3A_194] : memref<2x1x128xi32, #tpu.memory_space<vmem>> -> memref<1x1x128xi32, #tpu.memory_space<vmem>>
      %dma_start3A_196 = tpu.memref_squeeze %dma_start3A_195 : memref<1x1x128xi32, #tpu.memory_space<vmem>> -> memref<128xi32, #tpu.memory_space<vmem>>
      %dma_start3A_197 = arith.constant 0 : i32
      %dma_start3A_198 = arith.constant 0 : i32
      %dma_start3A_199 = tpu.memref_slice %arg16[%dma_start3A_197, %dma_start3A_198] : memref<10000x128xf32, #tpu.memory_space<vmem_shared>> -> memref<10000x128xf32, #tpu.memory_space<vmem_shared>>
      tpu.enqueue_indirect_dma source(%arg15 : memref<128x128xf32, #tpu.memory_space<vmem>>) target(%dma_start3A_199 : memref<10000x128xf32, #tpu.memory_space<vmem_shared>>) offsets(%dma_start3A_196 : memref<128xi32, #tpu.memory_space<vmem>>) semaphore(%arg22 : memref<!tpu.dma_semaphore, #tpu.memory_space<semaphore_mem>>) {add = true}
      %dma_wait3A_200 = arith.constant 1 : i32
      %dma_wait3A_201 = arith.constant 0 : i32
      %dma_wait3A_202 = arith.constant 0 : i32
      %dma_wait3A_203 = tpu.memref_slice %arg10[%dma_wait3A_200, %dma_wait3A_201, %dma_wait3A_202] : memref<2x1x128xi32, #tpu.memory_space<vmem>> -> memref<1x1x128xi32, #tpu.memory_space<vmem>>
      %dma_wait3A_204 = tpu.memref_squeeze %dma_wait3A_203 : memref<1x1x128xi32, #tpu.memory_space<vmem>> -> memref<128xi32, #tpu.memory_space<vmem>>
      %dma_wait3A_205 = arith.constant 0 : i32
      %dma_wait3A_206 = arith.constant 0 : i32
      %dma_wait3A_207 = tpu.memref_slice %arg16[%dma_wait3A_205, %dma_wait3A_206] : memref<10000x128xf32, #tpu.memory_space<vmem_shared>> -> memref<10000x128xf32, #tpu.memory_space<vmem_shared>>
      tpu.wait_indirect_dma semaphore(%arg21 : memref<!tpu.dma_semaphore, #tpu.memory_space<semaphore_mem>>) src(%arg14 : memref<128x128xf32, #tpu.memory_space<vmem>>) dst(%dma_wait3A_207 : memref<10000x128xf32, #tpu.memory_space<vmem_shared>>)
      %add3A_208 = arith.constant 2 : i32
      %add3A_209 = arith.addi %add3A_183, %add3A_208 : i32
      %lt3A_210 = arith.cmpi slt, %add3A_209, %add3A_17 : i32
      %convert_element_type3A_211 = arith.extui %lt3A_210 : i1 to i32
      %cond3A_212 = arith.constant 0 : i32
      %cond3A_213 = arith.cmpi ne, %convert_element_type3A_211, %cond3A_212 : i32
      scf.if %cond3A_213 {
        %add3A_328 = arith.constant 2 : i32
        %add3A_329 = arith.addi %add3A_183, %add3A_328 : i32
        %jit3A = arith.constant 2 : i32
        %div3A = arith.divsi %add3A_329, %jit3A : i32
        %sign3A = arith.constant 0 : i32
        %sign3A_330 = arith.cmpi sgt, %add3A_329, %sign3A : i32
        %sign3A_331 = arith.extui %sign3A_330 : i1 to i32
        %sign3A_332 = arith.constant 0 : i32
        %sign3A_333 = arith.cmpi slt, %add3A_329, %sign3A_332 : i32
        %sign3A_334 = arith.extui %sign3A_333 : i1 to i32
        %sign3A_335 = arith.subi %sign3A_331, %sign3A_334 : i32
        %sign3A_336 = arith.constant 0 : i32
        %sign3A_337 = arith.cmpi sgt, %jit3A, %sign3A_336 : i32
        %sign3A_338 = arith.extui %sign3A_337 : i1 to i32
        %sign3A_339 = arith.constant 0 : i32
        %sign3A_340 = arith.cmpi slt, %jit3A, %sign3A_339 : i32
        %sign3A_341 = arith.extui %sign3A_340 : i1 to i32
        %sign3A_342 = arith.subi %sign3A_338, %sign3A_341 : i32
        %ne3A = arith.cmpi ne, %sign3A_335, %sign3A_342 : i32
        %rem3A = arith.remsi %add3A_329, %jit3A : i32
        %ne3A_343 = arith.constant 0 : i32
        %ne3A_344 = arith.cmpi ne, %rem3A, %ne3A_343 : i32
        %and3A_345 = arith.andi %ne3A, %ne3A_344 : i1
        %sub3A = arith.constant 1 : i32
        %sub3A_346 = arith.subi %div3A, %sub3A : i32
        %select_n3A = arith.select %and3A_345, %sub3A_346, %div3A : i32
        %mul3A_347 = arith.constant 2 : i32
        %mul3A_348 = arith.muli %mul3A_347, %select_n3A : i32
        %add3A_349 = arith.addi %add3A_14, %mul3A_348 : i32
        %dma_wait3A_350 = arith.constant 0 : i32
        %dma_wait3A_351 = arith.constant 0 : i32
        %dma_wait3A_352 = tpu.memref_slice %arg2[%add3A_349, %dma_wait3A_350, %dma_wait3A_351] : memref<2500x1x128xi32, #tpu.memory_space<hbm>> -> memref<2x1x128xi32, #tpu.memory_space<hbm>>
        %dma_wait3A_353 = arith.constant 0 : i32
        %dma_wait3A_354 = arith.constant 0 : i32
        %dma_wait3A_355 = tpu.memref_slice %arg2[%add3A_349, %dma_wait3A_353, %dma_wait3A_354] : memref<2500x1x128xi32, #tpu.memory_space<hbm>> -> memref<2x1x128xi32, #tpu.memory_space<hbm>>
        tpu.wait_dma2 semaphore(%arg25 : memref<!tpu.dma_semaphore, #tpu.memory_space<semaphore_mem>>) src(%dma_wait3A_355 : memref<2x1x128xi32, #tpu.memory_space<hbm>>) dst(%arg9 : memref<2x1x128xi32, #tpu.memory_space<vmem>>)
        %dma_wait3A_356 = arith.constant 0 : i32
        %dma_wait3A_357 = arith.constant 0 : i32
        %dma_wait3A_358 = tpu.memref_slice %arg3[%add3A_349, %dma_wait3A_356, %dma_wait3A_357] : memref<2500x1x128xi32, #tpu.memory_space<hbm>> -> memref<2x1x128xi32, #tpu.memory_space<hbm>>
        %dma_wait3A_359 = arith.constant 0 : i32
        %dma_wait3A_360 = arith.constant 0 : i32
        %dma_wait3A_361 = tpu.memref_slice %arg3[%add3A_349, %dma_wait3A_359, %dma_wait3A_360] : memref<2500x1x128xi32, #tpu.memory_space<hbm>> -> memref<2x1x128xi32, #tpu.memory_space<hbm>>
        tpu.wait_dma2 semaphore(%arg25 : memref<!tpu.dma_semaphore, #tpu.memory_space<semaphore_mem>>) src(%dma_wait3A_361 : memref<2x1x128xi32, #tpu.memory_space<hbm>>) dst(%arg12 : memref<2x1x128xi32, #tpu.memory_space<vmem>>)
        %dma_start3A_362 = arith.constant 0 : i32
        %dma_start3A_363 = arith.constant 0 : i32
        %dma_start3A_364 = arith.constant 0 : i32
        %dma_start3A_365 = tpu.memref_slice %arg9[%dma_start3A_362, %dma_start3A_363, %dma_start3A_364] : memref<2x1x128xi32, #tpu.memory_space<vmem>> -> memref<1x1x128xi32, #tpu.memory_space<vmem>>
        %dma_start3A_366 = tpu.memref_squeeze %dma_start3A_365 : memref<1x1x128xi32, #tpu.memory_space<vmem>> -> memref<128xi32, #tpu.memory_space<vmem>>
        %dma_start3A_367 = arith.constant 0 : i32
        %dma_start3A_368 = arith.constant 0 : i32
        %dma_start3A_369 = tpu.memref_slice %arg4[%dma_start3A_367, %dma_start3A_368] : memref<10000x128xf32, #tpu.memory_space<hbm>> -> memref<10000x128xf32, #tpu.memory_space<hbm>>
        tpu.enqueue_indirect_dma source(%dma_start3A_369 : memref<10000x128xf32, #tpu.memory_space<hbm>>) target(%arg14 : memref<128x128xf32, #tpu.memory_space<vmem>>) offsets(%dma_start3A_366 : memref<128xi32, #tpu.memory_space<vmem>>) semaphore(%arg18 : memref<!tpu.dma_semaphore, #tpu.memory_space<semaphore_mem>>)
      } else {
      }
      %ge3A_214 = arith.constant 2 : i32
      %ge3A_215 = arith.cmpi sge, %add3A_183, %ge3A_214 : i32
      %add3A_216 = arith.constant 4 : i32
      %add3A_217 = arith.addi %add3A_183, %add3A_216 : i32
      %lt3A_218 = arith.cmpi slt, %add3A_217, %add3A_17 : i32
      %and3A_219 = arith.andi %ge3A_215, %lt3A_218 : i1
      %convert_element_type3A_220 = arith.extui %and3A_219 : i1 to i32
      %cond3A_221 = arith.constant 0 : i32
      %cond3A_222 = arith.cmpi ne, %convert_element_type3A_220, %cond3A_221 : i32
      scf.if %cond3A_222 {
        %jit3A = arith.constant 2 : i32
        %div3A = arith.divsi %add3A_183, %jit3A : i32
        %sign3A = arith.constant 0 : i32
        %sign3A_328 = arith.cmpi sgt, %add3A_183, %sign3A : i32
        %sign3A_329 = arith.extui %sign3A_328 : i1 to i32
        %sign3A_330 = arith.constant 0 : i32
        %sign3A_331 = arith.cmpi slt, %add3A_183, %sign3A_330 : i32
        %sign3A_332 = arith.extui %sign3A_331 : i1 to i32
        %sign3A_333 = arith.subi %sign3A_329, %sign3A_332 : i32
        %sign3A_334 = arith.constant 0 : i32
        %sign3A_335 = arith.cmpi sgt, %jit3A, %sign3A_334 : i32
        %sign3A_336 = arith.extui %sign3A_335 : i1 to i32
        %sign3A_337 = arith.constant 0 : i32
        %sign3A_338 = arith.cmpi slt, %jit3A, %sign3A_337 : i32
        %sign3A_339 = arith.extui %sign3A_338 : i1 to i32
        %sign3A_340 = arith.subi %sign3A_336, %sign3A_339 : i32
        %ne3A = arith.cmpi ne, %sign3A_333, %sign3A_340 : i32
        %rem3A = arith.remsi %add3A_183, %jit3A : i32
        %ne3A_341 = arith.constant 0 : i32
        %ne3A_342 = arith.cmpi ne, %rem3A, %ne3A_341 : i32
        %and3A_343 = arith.andi %ne3A, %ne3A_342 : i1
        %sub3A = arith.constant 1 : i32
        %sub3A_344 = arith.subi %div3A, %sub3A : i32
        %select_n3A = arith.select %and3A_343, %sub3A_344, %div3A : i32
        %add3A_345 = arith.constant 2 : i32
        %add3A_346 = arith.addi %select_n3A, %add3A_345 : i32
        %mul3A_347 = arith.constant 2 : i32
        %mul3A_348 = arith.muli %mul3A_347, %add3A_346 : i32
        %add3A_349 = arith.addi %add3A_14, %mul3A_348 : i32
        %dma_start3A_350 = arith.constant 0 : i32
        %dma_start3A_351 = arith.constant 0 : i32
        %dma_start3A_352 = tpu.memref_slice %arg2[%add3A_349, %dma_start3A_350, %dma_start3A_351] : memref<2500x1x128xi32, #tpu.memory_space<hbm>> -> memref<2x1x128xi32, #tpu.memory_space<hbm>>
        %dma_start3A_353 = arith.constant 0 : i32
        %dma_start3A_354 = arith.constant 0 : i32
        %dma_start3A_355 = tpu.memref_slice %arg2[%add3A_349, %dma_start3A_353, %dma_start3A_354] : memref<2500x1x128xi32, #tpu.memory_space<hbm>> -> memref<2x1x128xi32, #tpu.memory_space<hbm>>
        tpu.enqueue_dma source(%dma_start3A_355 : memref<2x1x128xi32, #tpu.memory_space<hbm>>) target(%arg7 : memref<2x1x128xi32, #tpu.memory_space<vmem>>) target_semaphore(%arg23 : memref<!tpu.dma_semaphore, #tpu.memory_space<semaphore_mem>>)
        %dma_start3A_356 = arith.constant 0 : i32
        %dma_start3A_357 = arith.constant 0 : i32
        %dma_start3A_358 = tpu.memref_slice %arg3[%add3A_349, %dma_start3A_356, %dma_start3A_357] : memref<2500x1x128xi32, #tpu.memory_space<hbm>> -> memref<2x1x128xi32, #tpu.memory_space<hbm>>
        %dma_start3A_359 = arith.constant 0 : i32
        %dma_start3A_360 = arith.constant 0 : i32
        %dma_start3A_361 = tpu.memref_slice %arg3[%add3A_349, %dma_start3A_359, %dma_start3A_360] : memref<2500x1x128xi32, #tpu.memory_space<hbm>> -> memref<2x1x128xi32, #tpu.memory_space<hbm>>
        tpu.enqueue_dma source(%dma_start3A_361 : memref<2x1x128xi32, #tpu.memory_space<hbm>>) target(%arg10 : memref<2x1x128xi32, #tpu.memory_space<vmem>>) target_semaphore(%arg23 : memref<!tpu.dma_semaphore, #tpu.memory_space<semaphore_mem>>)
      } else {
      }
      %add3A_223 = arith.constant 3 : i32
      %add3A_224 = arith.addi %mul3A_113, %add3A_223 : i32
      %dma_wait3A_225 = arith.constant 1 : i32
      %dma_wait3A_226 = arith.constant 0 : i32
      %dma_wait3A_227 = arith.constant 0 : i32
      %dma_wait3A_228 = tpu.memref_slice %arg8[%dma_wait3A_225, %dma_wait3A_226, %dma_wait3A_227] : memref<2x1x128xi32, #tpu.memory_space<vmem>> -> memref<1x1x128xi32, #tpu.memory_space<vmem>>
      %dma_wait3A_229 = tpu.memref_squeeze %dma_wait3A_228 : memref<1x1x128xi32, #tpu.memory_space<vmem>> -> memref<128xi32, #tpu.memory_space<vmem>>
      %dma_wait3A_230 = arith.constant 0 : i32
      %dma_wait3A_231 = arith.constant 0 : i32
      %dma_wait3A_232 = tpu.memref_slice %arg4[%dma_wait3A_230, %dma_wait3A_231] : memref<10000x128xf32, #tpu.memory_space<hbm>> -> memref<10000x128xf32, #tpu.memory_space<hbm>>
      tpu.wait_indirect_dma semaphore(%arg17 : memref<!tpu.dma_semaphore, #tpu.memory_space<semaphore_mem>>) src(%dma_wait3A_232 : memref<10000x128xf32, #tpu.memory_space<hbm>>) dst(%arg13 : memref<128x128xf32, #tpu.memory_space<vmem>>)
      %dma_start3A_233 = arith.constant 1 : i32
      %dma_start3A_234 = arith.constant 0 : i32
      %dma_start3A_235 = arith.constant 0 : i32
      %dma_start3A_236 = tpu.memref_slice %arg11[%dma_start3A_233, %dma_start3A_234, %dma_start3A_235] : memref<2x1x128xi32, #tpu.memory_space<vmem>> -> memref<1x1x128xi32, #tpu.memory_space<vmem>>
      %dma_start3A_237 = tpu.memref_squeeze %dma_start3A_236 : memref<1x1x128xi32, #tpu.memory_space<vmem>> -> memref<128xi32, #tpu.memory_space<vmem>>
      %dma_start3A_238 = arith.constant 0 : i32
      %dma_start3A_239 = arith.constant 0 : i32
      %dma_start3A_240 = tpu.memref_slice %arg16[%dma_start3A_238, %dma_start3A_239] : memref<10000x128xf32, #tpu.memory_space<vmem_shared>> -> memref<10000x128xf32, #tpu.memory_space<vmem_shared>>
      tpu.enqueue_indirect_dma source(%arg13 : memref<128x128xf32, #tpu.memory_space<vmem>>) target(%dma_start3A_240 : memref<10000x128xf32, #tpu.memory_space<vmem_shared>>) offsets(%dma_start3A_237 : memref<128xi32, #tpu.memory_space<vmem>>) semaphore(%arg20 : memref<!tpu.dma_semaphore, #tpu.memory_space<semaphore_mem>>) {add = true}
      %dma_wait3A_241 = arith.constant 0 : i32
      %dma_wait3A_242 = arith.constant 0 : i32
      %dma_wait3A_243 = arith.constant 0 : i32
      %dma_wait3A_244 = tpu.memref_slice %arg11[%dma_wait3A_241, %dma_wait3A_242, %dma_wait3A_243] : memref<2x1x128xi32, #tpu.memory_space<vmem>> -> memref<1x1x128xi32, #tpu.memory_space<vmem>>
      %dma_wait3A_245 = tpu.memref_squeeze %dma_wait3A_244 : memref<1x1x128xi32, #tpu.memory_space<vmem>> -> memref<128xi32, #tpu.memory_space<vmem>>
      %dma_wait3A_246 = arith.constant 0 : i32
      %dma_wait3A_247 = arith.constant 0 : i32
      %dma_wait3A_248 = tpu.memref_slice %arg16[%dma_wait3A_246, %dma_wait3A_247] : memref<10000x128xf32, #tpu.memory_space<vmem_shared>> -> memref<10000x128xf32, #tpu.memory_space<vmem_shared>>
      tpu.wait_indirect_dma semaphore(%arg22 : memref<!tpu.dma_semaphore, #tpu.memory_space<semaphore_mem>>) src(%arg15 : memref<128x128xf32, #tpu.memory_space<vmem>>) dst(%dma_wait3A_248 : memref<10000x128xf32, #tpu.memory_space<vmem_shared>>)
      %add3A_249 = arith.constant 2 : i32
      %add3A_250 = arith.addi %add3A_224, %add3A_249 : i32
      %lt3A_251 = arith.cmpi slt, %add3A_250, %add3A_17 : i32
      %convert_element_type3A_252 = arith.extui %lt3A_251 : i1 to i32
      %cond3A_253 = arith.constant 0 : i32
      %cond3A_254 = arith.cmpi ne, %convert_element_type3A_252, %cond3A_253 : i32
      scf.if %cond3A_254 {
        %dma_start3A_328 = arith.constant 1 : i32
        %dma_start3A_329 = arith.constant 0 : i32
        %dma_start3A_330 = arith.constant 0 : i32
        %dma_start3A_331 = tpu.memref_slice %arg9[%dma_start3A_328, %dma_start3A_329, %dma_start3A_330] : memref<2x1x128xi32, #tpu.memory_space<vmem>> -> memref<1x1x128xi32, #tpu.memory_space<vmem>>
        %dma_start3A_332 = tpu.memref_squeeze %dma_start3A_331 : memref<1x1x128xi32, #tpu.memory_space<vmem>> -> memref<128xi32, #tpu.memory_space<vmem>>
        %dma_start3A_333 = arith.constant 0 : i32
        %dma_start3A_334 = arith.constant 0 : i32
        %dma_start3A_335 = tpu.memref_slice %arg4[%dma_start3A_333, %dma_start3A_334] : memref<10000x128xf32, #tpu.memory_space<hbm>> -> memref<10000x128xf32, #tpu.memory_space<hbm>>
        tpu.enqueue_indirect_dma source(%dma_start3A_335 : memref<10000x128xf32, #tpu.memory_space<hbm>>) target(%arg15 : memref<128x128xf32, #tpu.memory_space<vmem>>) offsets(%dma_start3A_332 : memref<128xi32, #tpu.memory_space<vmem>>) semaphore(%arg19 : memref<!tpu.dma_semaphore, #tpu.memory_space<semaphore_mem>>)
      } else {
      }
      %add3A_255 = arith.constant 4 : i32
      %add3A_256 = arith.addi %mul3A_113, %add3A_255 : i32
      %dma_wait3A_257 = arith.constant 0 : i32
      %dma_wait3A_258 = arith.constant 0 : i32
      %dma_wait3A_259 = arith.constant 0 : i32
      %dma_wait3A_260 = tpu.memref_slice %arg9[%dma_wait3A_257, %dma_wait3A_258, %dma_wait3A_259] : memref<2x1x128xi32, #tpu.memory_space<vmem>> -> memref<1x1x128xi32, #tpu.memory_space<vmem>>
      %dma_wait3A_261 = tpu.memref_squeeze %dma_wait3A_260 : memref<1x1x128xi32, #tpu.memory_space<vmem>> -> memref<128xi32, #tpu.memory_space<vmem>>
      %dma_wait3A_262 = arith.constant 0 : i32
      %dma_wait3A_263 = arith.constant 0 : i32
      %dma_wait3A_264 = tpu.memref_slice %arg4[%dma_wait3A_262, %dma_wait3A_263] : memref<10000x128xf32, #tpu.memory_space<hbm>> -> memref<10000x128xf32, #tpu.memory_space<hbm>>
      tpu.wait_indirect_dma semaphore(%arg18 : memref<!tpu.dma_semaphore, #tpu.memory_space<semaphore_mem>>) src(%dma_wait3A_264 : memref<10000x128xf32, #tpu.memory_space<hbm>>) dst(%arg14 : memref<128x128xf32, #tpu.memory_space<vmem>>)
      %dma_start3A_265 = arith.constant 0 : i32
      %dma_start3A_266 = arith.constant 0 : i32
      %dma_start3A_267 = arith.constant 0 : i32
      %dma_start3A_268 = tpu.memref_slice %arg12[%dma_start3A_265, %dma_start3A_266, %dma_start3A_267] : memref<2x1x128xi32, #tpu.memory_space<vmem>> -> memref<1x1x128xi32, #tpu.memory_space<vmem>>
      %dma_start3A_269 = tpu.memref_squeeze %dma_start3A_268 : memref<1x1x128xi32, #tpu.memory_space<vmem>> -> memref<128xi32, #tpu.memory_space<vmem>>
      %dma_start3A_270 = arith.constant 0 : i32
      %dma_start3A_271 = arith.constant 0 : i32
      %dma_start3A_272 = tpu.memref_slice %arg16[%dma_start3A_270, %dma_start3A_271] : memref<10000x128xf32, #tpu.memory_space<vmem_shared>> -> memref<10000x128xf32, #tpu.memory_space<vmem_shared>>
      tpu.enqueue_indirect_dma source(%arg14 : memref<128x128xf32, #tpu.memory_space<vmem>>) target(%dma_start3A_272 : memref<10000x128xf32, #tpu.memory_space<vmem_shared>>) offsets(%dma_start3A_269 : memref<128xi32, #tpu.memory_space<vmem>>) semaphore(%arg21 : memref<!tpu.dma_semaphore, #tpu.memory_space<semaphore_mem>>) {add = true}
      %dma_wait3A_273 = arith.constant 1 : i32
      %dma_wait3A_274 = arith.constant 0 : i32
      %dma_wait3A_275 = arith.constant 0 : i32
      %dma_wait3A_276 = tpu.memref_slice %arg11[%dma_wait3A_273, %dma_wait3A_274, %dma_wait3A_275] : memref<2x1x128xi32, #tpu.memory_space<vmem>> -> memref<1x1x128xi32, #tpu.memory_space<vmem>>
      %dma_wait3A_277 = tpu.memref_squeeze %dma_wait3A_276 : memref<1x1x128xi32, #tpu.memory_space<vmem>> -> memref<128xi32, #tpu.memory_space<vmem>>
      %dma_wait3A_278 = arith.constant 0 : i32
      %dma_wait3A_279 = arith.constant 0 : i32
      %dma_wait3A_280 = tpu.memref_slice %arg16[%dma_wait3A_278, %dma_wait3A_279] : memref<10000x128xf32, #tpu.memory_space<vmem_shared>> -> memref<10000x128xf32, #tpu.memory_space<vmem_shared>>
      tpu.wait_indirect_dma semaphore(%arg20 : memref<!tpu.dma_semaphore, #tpu.memory_space<semaphore_mem>>) src(%arg13 : memref<128x128xf32, #tpu.memory_space<vmem>>) dst(%dma_wait3A_280 : memref<10000x128xf32, #tpu.memory_space<vmem_shared>>)
      %add3A_281 = arith.constant 2 : i32
      %add3A_282 = arith.addi %add3A_256, %add3A_281 : i32
      %lt3A_283 = arith.cmpi slt, %add3A_282, %add3A_17 : i32
      %convert_element_type3A_284 = arith.extui %lt3A_283 : i1 to i32
      %cond3A_285 = arith.constant 0 : i32
      %cond3A_286 = arith.cmpi ne, %convert_element_type3A_284, %cond3A_285 : i32
      scf.if %cond3A_286 {
        %add3A_328 = arith.constant 2 : i32
        %add3A_329 = arith.addi %add3A_256, %add3A_328 : i32
        %jit3A = arith.constant 2 : i32
        %div3A = arith.divsi %add3A_329, %jit3A : i32
        %sign3A = arith.constant 0 : i32
        %sign3A_330 = arith.cmpi sgt, %add3A_329, %sign3A : i32
        %sign3A_331 = arith.extui %sign3A_330 : i1 to i32
        %sign3A_332 = arith.constant 0 : i32
        %sign3A_333 = arith.cmpi slt, %add3A_329, %sign3A_332 : i32
        %sign3A_334 = arith.extui %sign3A_333 : i1 to i32
        %sign3A_335 = arith.subi %sign3A_331, %sign3A_334 : i32
        %sign3A_336 = arith.constant 0 : i32
        %sign3A_337 = arith.cmpi sgt, %jit3A, %sign3A_336 : i32
        %sign3A_338 = arith.extui %sign3A_337 : i1 to i32
        %sign3A_339 = arith.constant 0 : i32
        %sign3A_340 = arith.cmpi slt, %jit3A, %sign3A_339 : i32
        %sign3A_341 = arith.extui %sign3A_340 : i1 to i32
        %sign3A_342 = arith.subi %sign3A_338, %sign3A_341 : i32
        %ne3A = arith.cmpi ne, %sign3A_335, %sign3A_342 : i32
        %rem3A = arith.remsi %add3A_329, %jit3A : i32
        %ne3A_343 = arith.constant 0 : i32
        %ne3A_344 = arith.cmpi ne, %rem3A, %ne3A_343 : i32
        %and3A_345 = arith.andi %ne3A, %ne3A_344 : i1
        %sub3A = arith.constant 1 : i32
        %sub3A_346 = arith.subi %div3A, %sub3A : i32
        %select_n3A = arith.select %and3A_345, %sub3A_346, %div3A : i32
        %mul3A_347 = arith.constant 2 : i32
        %mul3A_348 = arith.muli %mul3A_347, %select_n3A : i32
        %add3A_349 = arith.addi %add3A_14, %mul3A_348 : i32
        %dma_wait3A_350 = arith.constant 0 : i32
        %dma_wait3A_351 = arith.constant 0 : i32
        %dma_wait3A_352 = tpu.memref_slice %arg2[%add3A_349, %dma_wait3A_350, %dma_wait3A_351] : memref<2500x1x128xi32, #tpu.memory_space<hbm>> -> memref<2x1x128xi32, #tpu.memory_space<hbm>>
        %dma_wait3A_353 = arith.constant 0 : i32
        %dma_wait3A_354 = arith.constant 0 : i32
        %dma_wait3A_355 = tpu.memref_slice %arg2[%add3A_349, %dma_wait3A_353, %dma_wait3A_354] : memref<2500x1x128xi32, #tpu.memory_space<hbm>> -> memref<2x1x128xi32, #tpu.memory_space<hbm>>
        tpu.wait_dma2 semaphore(%arg23 : memref<!tpu.dma_semaphore, #tpu.memory_space<semaphore_mem>>) src(%dma_wait3A_355 : memref<2x1x128xi32, #tpu.memory_space<hbm>>) dst(%arg7 : memref<2x1x128xi32, #tpu.memory_space<vmem>>)
        %dma_wait3A_356 = arith.constant 0 : i32
        %dma_wait3A_357 = arith.constant 0 : i32
        %dma_wait3A_358 = tpu.memref_slice %arg3[%add3A_349, %dma_wait3A_356, %dma_wait3A_357] : memref<2500x1x128xi32, #tpu.memory_space<hbm>> -> memref<2x1x128xi32, #tpu.memory_space<hbm>>
        %dma_wait3A_359 = arith.constant 0 : i32
        %dma_wait3A_360 = arith.constant 0 : i32
        %dma_wait3A_361 = tpu.memref_slice %arg3[%add3A_349, %dma_wait3A_359, %dma_wait3A_360] : memref<2500x1x128xi32, #tpu.memory_space<hbm>> -> memref<2x1x128xi32, #tpu.memory_space<hbm>>
        tpu.wait_dma2 semaphore(%arg23 : memref<!tpu.dma_semaphore, #tpu.memory_space<semaphore_mem>>) src(%dma_wait3A_361 : memref<2x1x128xi32, #tpu.memory_space<hbm>>) dst(%arg10 : memref<2x1x128xi32, #tpu.memory_space<vmem>>)
        %dma_start3A_362 = arith.constant 0 : i32
        %dma_start3A_363 = arith.constant 0 : i32
        %dma_start3A_364 = arith.constant 0 : i32
        %dma_start3A_365 = tpu.memref_slice %arg7[%dma_start3A_362, %dma_start3A_363, %dma_start3A_364] : memref<2x1x128xi32, #tpu.memory_space<vmem>> -> memref<1x1x128xi32, #tpu.memory_space<vmem>>
        %dma_start3A_366 = tpu.memref_squeeze %dma_start3A_365 : memref<1x1x128xi32, #tpu.memory_space<vmem>> -> memref<128xi32, #tpu.memory_space<vmem>>
        %dma_start3A_367 = arith.constant 0 : i32
        %dma_start3A_368 = arith.constant 0 : i32
        %dma_start3A_369 = tpu.memref_slice %arg4[%dma_start3A_367, %dma_start3A_368] : memref<10000x128xf32, #tpu.memory_space<hbm>> -> memref<10000x128xf32, #tpu.memory_space<hbm>>
        tpu.enqueue_indirect_dma source(%dma_start3A_369 : memref<10000x128xf32, #tpu.memory_space<hbm>>) target(%arg13 : memref<128x128xf32, #tpu.memory_space<vmem>>) offsets(%dma_start3A_366 : memref<128xi32, #tpu.memory_space<vmem>>) semaphore(%arg17 : memref<!tpu.dma_semaphore, #tpu.memory_space<semaphore_mem>>)
      } else {
      }
      %ge3A_287 = arith.constant 2 : i32
      %ge3A_288 = arith.cmpi sge, %add3A_256, %ge3A_287 : i32
      %add3A_289 = arith.constant 4 : i32
      %add3A_290 = arith.addi %add3A_256, %add3A_289 : i32
      %lt3A_291 = arith.cmpi slt, %add3A_290, %add3A_17 : i32
      %and3A_292 = arith.andi %ge3A_288, %lt3A_291 : i1
      %convert_element_type3A_293 = arith.extui %and3A_292 : i1 to i32
      %cond3A_294 = arith.constant 0 : i32
      %cond3A_295 = arith.cmpi ne, %convert_element_type3A_293, %cond3A_294 : i32
      scf.if %cond3A_295 {
        %jit3A = arith.constant 2 : i32
        %div3A = arith.divsi %add3A_256, %jit3A : i32
        %sign3A = arith.constant 0 : i32
        %sign3A_328 = arith.cmpi sgt, %add3A_256, %sign3A : i32
        %sign3A_329 = arith.extui %sign3A_328 : i1 to i32
        %sign3A_330 = arith.constant 0 : i32
        %sign3A_331 = arith.cmpi slt, %add3A_256, %sign3A_330 : i32
        %sign3A_332 = arith.extui %sign3A_331 : i1 to i32
        %sign3A_333 = arith.subi %sign3A_329, %sign3A_332 : i32
        %sign3A_334 = arith.constant 0 : i32
        %sign3A_335 = arith.cmpi sgt, %jit3A, %sign3A_334 : i32
        %sign3A_336 = arith.extui %sign3A_335 : i1 to i32
        %sign3A_337 = arith.constant 0 : i32
        %sign3A_338 = arith.cmpi slt, %jit3A, %sign3A_337 : i32
        %sign3A_339 = arith.extui %sign3A_338 : i1 to i32
        %sign3A_340 = arith.subi %sign3A_336, %sign3A_339 : i32
        %ne3A = arith.cmpi ne, %sign3A_333, %sign3A_340 : i32
        %rem3A = arith.remsi %add3A_256, %jit3A : i32
        %ne3A_341 = arith.constant 0 : i32
        %ne3A_342 = arith.cmpi ne, %rem3A, %ne3A_341 : i32
        %and3A_343 = arith.andi %ne3A, %ne3A_342 : i1
        %sub3A = arith.constant 1 : i32
        %sub3A_344 = arith.subi %div3A, %sub3A : i32
        %select_n3A = arith.select %and3A_343, %sub3A_344, %div3A : i32
        %add3A_345 = arith.constant 2 : i32
        %add3A_346 = arith.addi %select_n3A, %add3A_345 : i32
        %mul3A_347 = arith.constant 2 : i32
        %mul3A_348 = arith.muli %mul3A_347, %add3A_346 : i32
        %add3A_349 = arith.addi %add3A_14, %mul3A_348 : i32
        %dma_start3A_350 = arith.constant 0 : i32
        %dma_start3A_351 = arith.constant 0 : i32
        %dma_start3A_352 = tpu.memref_slice %arg2[%add3A_349, %dma_start3A_350, %dma_start3A_351] : memref<2500x1x128xi32, #tpu.memory_space<hbm>> -> memref<2x1x128xi32, #tpu.memory_space<hbm>>
        %dma_start3A_353 = arith.constant 0 : i32
        %dma_start3A_354 = arith.constant 0 : i32
        %dma_start3A_355 = tpu.memref_slice %arg2[%add3A_349, %dma_start3A_353, %dma_start3A_354] : memref<2500x1x128xi32, #tpu.memory_space<hbm>> -> memref<2x1x128xi32, #tpu.memory_space<hbm>>
        tpu.enqueue_dma source(%dma_start3A_355 : memref<2x1x128xi32, #tpu.memory_space<hbm>>) target(%arg8 : memref<2x1x128xi32, #tpu.memory_space<vmem>>) target_semaphore(%arg24 : memref<!tpu.dma_semaphore, #tpu.memory_space<semaphore_mem>>)
        %dma_start3A_356 = arith.constant 0 : i32
        %dma_start3A_357 = arith.constant 0 : i32
        %dma_start3A_358 = tpu.memref_slice %arg3[%add3A_349, %dma_start3A_356, %dma_start3A_357] : memref<2500x1x128xi32, #tpu.memory_space<hbm>> -> memref<2x1x128xi32, #tpu.memory_space<hbm>>
        %dma_start3A_359 = arith.constant 0 : i32
        %dma_start3A_360 = arith.constant 0 : i32
        %dma_start3A_361 = tpu.memref_slice %arg3[%add3A_349, %dma_start3A_359, %dma_start3A_360] : memref<2500x1x128xi32, #tpu.memory_space<hbm>> -> memref<2x1x128xi32, #tpu.memory_space<hbm>>
        tpu.enqueue_dma source(%dma_start3A_361 : memref<2x1x128xi32, #tpu.memory_space<hbm>>) target(%arg11 : memref<2x1x128xi32, #tpu.memory_space<vmem>>) target_semaphore(%arg24 : memref<!tpu.dma_semaphore, #tpu.memory_space<semaphore_mem>>)
      } else {
      }
      %add3A_296 = arith.constant 5 : i32
      %add3A_297 = arith.addi %mul3A_113, %add3A_296 : i32
      %dma_wait3A_298 = arith.constant 1 : i32
      %dma_wait3A_299 = arith.constant 0 : i32
      %dma_wait3A_300 = arith.constant 0 : i32
      %dma_wait3A_301 = tpu.memref_slice %arg9[%dma_wait3A_298, %dma_wait3A_299, %dma_wait3A_300] : memref<2x1x128xi32, #tpu.memory_space<vmem>> -> memref<1x1x128xi32, #tpu.memory_space<vmem>>
      %dma_wait3A_302 = tpu.memref_squeeze %dma_wait3A_301 : memref<1x1x128xi32, #tpu.memory_space<vmem>> -> memref<128xi32, #tpu.memory_space<vmem>>
      %dma_wait3A_303 = arith.constant 0 : i32
      %dma_wait3A_304 = arith.constant 0 : i32
      %dma_wait3A_305 = tpu.memref_slice %arg4[%dma_wait3A_303, %dma_wait3A_304] : memref<10000x128xf32, #tpu.memory_space<hbm>> -> memref<10000x128xf32, #tpu.memory_space<hbm>>
      tpu.wait_indirect_dma semaphore(%arg19 : memref<!tpu.dma_semaphore, #tpu.memory_space<semaphore_mem>>) src(%dma_wait3A_305 : memref<10000x128xf32, #tpu.memory_space<hbm>>) dst(%arg15 : memref<128x128xf32, #tpu.memory_space<vmem>>)
      %dma_start3A_306 = arith.constant 1 : i32
      %dma_start3A_307 = arith.constant 0 : i32
      %dma_start3A_308 = arith.constant 0 : i32
      %dma_start3A_309 = tpu.memref_slice %arg12[%dma_start3A_306, %dma_start3A_307, %dma_start3A_308] : memref<2x1x128xi32, #tpu.memory_space<vmem>> -> memref<1x1x128xi32, #tpu.memory_space<vmem>>
      %dma_start3A_310 = tpu.memref_squeeze %dma_start3A_309 : memref<1x1x128xi32, #tpu.memory_space<vmem>> -> memref<128xi32, #tpu.memory_space<vmem>>
      %dma_start3A_311 = arith.constant 0 : i32
      %dma_start3A_312 = arith.constant 0 : i32
      %dma_start3A_313 = tpu.memref_slice %arg16[%dma_start3A_311, %dma_start3A_312] : memref<10000x128xf32, #tpu.memory_space<vmem_shared>> -> memref<10000x128xf32, #tpu.memory_space<vmem_shared>>
      tpu.enqueue_indirect_dma source(%arg15 : memref<128x128xf32, #tpu.memory_space<vmem>>) target(%dma_start3A_313 : memref<10000x128xf32, #tpu.memory_space<vmem_shared>>) offsets(%dma_start3A_310 : memref<128xi32, #tpu.memory_space<vmem>>) semaphore(%arg22 : memref<!tpu.dma_semaphore, #tpu.memory_space<semaphore_mem>>) {add = true}
      %dma_wait3A_314 = arith.constant 0 : i32
      %dma_wait3A_315 = arith.constant 0 : i32
      %dma_wait3A_316 = arith.constant 0 : i32
      %dma_wait3A_317 = tpu.memref_slice %arg12[%dma_wait3A_314, %dma_wait3A_315, %dma_wait3A_316] : memref<2x1x128xi32, #tpu.memory_space<vmem>> -> memref<1x1x128xi32, #tpu.memory_space<vmem>>
      %dma_wait3A_318 = tpu.memref_squeeze %dma_wait3A_317 : memref<1x1x128xi32, #tpu.memory_space<vmem>> -> memref<128xi32, #tpu.memory_space<vmem>>
      %dma_wait3A_319 = arith.constant 0 : i32
      %dma_wait3A_320 = arith.constant 0 : i32
      %dma_wait3A_321 = tpu.memref_slice %arg16[%dma_wait3A_319, %dma_wait3A_320] : memref<10000x128xf32, #tpu.memory_space<vmem_shared>> -> memref<10000x128xf32, #tpu.memory_space<vmem_shared>>
      tpu.wait_indirect_dma semaphore(%arg21 : memref<!tpu.dma_semaphore, #tpu.memory_space<semaphore_mem>>) src(%arg14 : memref<128x128xf32, #tpu.memory_space<vmem>>) dst(%dma_wait3A_321 : memref<10000x128xf32, #tpu.memory_space<vmem_shared>>)
      %add3A_322 = arith.constant 2 : i32
      %add3A_323 = arith.addi %add3A_297, %add3A_322 : i32
      %lt3A_324 = arith.cmpi slt, %add3A_323, %add3A_17 : i32
      %convert_element_type3A_325 = arith.extui %lt3A_324 : i1 to i32
      %cond3A_326 = arith.constant 0 : i32
      %cond3A_327 = arith.cmpi ne, %convert_element_type3A_325, %cond3A_326 : i32
      scf.if %cond3A_327 {
        %dma_start3A_328 = arith.constant 1 : i32
        %dma_start3A_329 = arith.constant 0 : i32
        %dma_start3A_330 = arith.constant 0 : i32
        %dma_start3A_331 = tpu.memref_slice %arg7[%dma_start3A_328, %dma_start3A_329, %dma_start3A_330] : memref<2x1x128xi32, #tpu.memory_space<vmem>> -> memref<1x1x128xi32, #tpu.memory_space<vmem>>
        %dma_start3A_332 = tpu.memref_squeeze %dma_start3A_331 : memref<1x1x128xi32, #tpu.memory_space<vmem>> -> memref<128xi32, #tpu.memory_space<vmem>>
        %dma_start3A_333 = arith.constant 0 : i32
        %dma_start3A_334 = arith.constant 0 : i32
        %dma_start3A_335 = tpu.memref_slice %arg4[%dma_start3A_333, %dma_start3A_334] : memref<10000x128xf32, #tpu.memory_space<hbm>> -> memref<10000x128xf32, #tpu.memory_space<hbm>>
        tpu.enqueue_indirect_dma source(%dma_start3A_335 : memref<10000x128xf32, #tpu.memory_space<hbm>>) target(%arg14 : memref<128x128xf32, #tpu.memory_space<vmem>>) offsets(%dma_start3A_332 : memref<128xi32, #tpu.memory_space<vmem>>) semaphore(%arg18 : memref<!tpu.dma_semaphore, #tpu.memory_space<semaphore_mem>>)
      } else {
      }
    }
    %scan3A_92 = arith.constant 13 : i32
    %convert_element_type3A_93 = arith.extui %lt3A_10 : i1 to i32
    %cond3A_94 = arith.constant 0 : i32
    %cond3A_95 = arith.cmpi ne, %convert_element_type3A_93, %cond3A_94 : i32
    scf.if %cond3A_95 {
      %dma_wait3A_111 = arith.constant 0 : i32
      %dma_wait3A_112 = arith.constant 0 : i32
      %dma_wait3A_113 = arith.constant 0 : i32
      %dma_wait3A_114 = tpu.memref_slice %arg7[%dma_wait3A_111, %dma_wait3A_112, %dma_wait3A_113] : memref<2x1x128xi32, #tpu.memory_space<vmem>> -> memref<1x1x128xi32, #tpu.memory_space<vmem>>
      %dma_wait3A_115 = tpu.memref_squeeze %dma_wait3A_114 : memref<1x1x128xi32, #tpu.memory_space<vmem>> -> memref<128xi32, #tpu.memory_space<vmem>>
      %dma_wait3A_116 = arith.constant 0 : i32
      %dma_wait3A_117 = arith.constant 0 : i32
      %dma_wait3A_118 = tpu.memref_slice %arg4[%dma_wait3A_116, %dma_wait3A_117] : memref<10000x128xf32, #tpu.memory_space<hbm>> -> memref<10000x128xf32, #tpu.memory_space<hbm>>
      tpu.wait_indirect_dma semaphore(%arg17 : memref<!tpu.dma_semaphore, #tpu.memory_space<semaphore_mem>>) src(%dma_wait3A_118 : memref<10000x128xf32, #tpu.memory_space<hbm>>) dst(%arg13 : memref<128x128xf32, #tpu.memory_space<vmem>>)
      %dma_start3A_119 = arith.constant 0 : i32
      %dma_start3A_120 = arith.constant 0 : i32
      %dma_start3A_121 = arith.constant 0 : i32
      %dma_start3A_122 = tpu.memref_slice %arg10[%dma_start3A_119, %dma_start3A_120, %dma_start3A_121] : memref<2x1x128xi32, #tpu.memory_space<vmem>> -> memref<1x1x128xi32, #tpu.memory_space<vmem>>
      %dma_start3A_123 = tpu.memref_squeeze %dma_start3A_122 : memref<1x1x128xi32, #tpu.memory_space<vmem>> -> memref<128xi32, #tpu.memory_space<vmem>>
      %dma_start3A_124 = arith.constant 0 : i32
      %dma_start3A_125 = arith.constant 0 : i32
      %dma_start3A_126 = tpu.memref_slice %arg16[%dma_start3A_124, %dma_start3A_125] : memref<10000x128xf32, #tpu.memory_space<vmem_shared>> -> memref<10000x128xf32, #tpu.memory_space<vmem_shared>>
      tpu.enqueue_indirect_dma source(%arg13 : memref<128x128xf32, #tpu.memory_space<vmem>>) target(%dma_start3A_126 : memref<10000x128xf32, #tpu.memory_space<vmem_shared>>) offsets(%dma_start3A_123 : memref<128xi32, #tpu.memory_space<vmem>>) semaphore(%arg20 : memref<!tpu.dma_semaphore, #tpu.memory_space<semaphore_mem>>) {add = true}
      %dma_wait3A_127 = arith.constant 1 : i32
      %dma_wait3A_128 = arith.constant 0 : i32
      %dma_wait3A_129 = arith.constant 0 : i32
      %dma_wait3A_130 = tpu.memref_slice %arg12[%dma_wait3A_127, %dma_wait3A_128, %dma_wait3A_129] : memref<2x1x128xi32, #tpu.memory_space<vmem>> -> memref<1x1x128xi32, #tpu.memory_space<vmem>>
      %dma_wait3A_131 = tpu.memref_squeeze %dma_wait3A_130 : memref<1x1x128xi32, #tpu.memory_space<vmem>> -> memref<128xi32, #tpu.memory_space<vmem>>
      %dma_wait3A_132 = arith.constant 0 : i32
      %dma_wait3A_133 = arith.constant 0 : i32
      %dma_wait3A_134 = tpu.memref_slice %arg16[%dma_wait3A_132, %dma_wait3A_133] : memref<10000x128xf32, #tpu.memory_space<vmem_shared>> -> memref<10000x128xf32, #tpu.memory_space<vmem_shared>>
      tpu.wait_indirect_dma semaphore(%arg22 : memref<!tpu.dma_semaphore, #tpu.memory_space<semaphore_mem>>) src(%arg15 : memref<128x128xf32, #tpu.memory_space<vmem>>) dst(%dma_wait3A_134 : memref<10000x128xf32, #tpu.memory_space<vmem_shared>>)
      %dma_wait3A_135 = arith.constant 0 : i32
      %dma_wait3A_136 = arith.constant 0 : i32
      %dma_wait3A_137 = arith.constant 0 : i32
      %dma_wait3A_138 = tpu.memref_slice %arg10[%dma_wait3A_135, %dma_wait3A_136, %dma_wait3A_137] : memref<2x1x128xi32, #tpu.memory_space<vmem>> -> memref<1x1x128xi32, #tpu.memory_space<vmem>>
      %dma_wait3A_139 = tpu.memref_squeeze %dma_wait3A_138 : memref<1x1x128xi32, #tpu.memory_space<vmem>> -> memref<128xi32, #tpu.memory_space<vmem>>
      %dma_wait3A_140 = arith.constant 0 : i32
      %dma_wait3A_141 = arith.constant 0 : i32
      %dma_wait3A_142 = tpu.memref_slice %arg16[%dma_wait3A_140, %dma_wait3A_141] : memref<10000x128xf32, #tpu.memory_space<vmem_shared>> -> memref<10000x128xf32, #tpu.memory_space<vmem_shared>>
      tpu.wait_indirect_dma semaphore(%arg20 : memref<!tpu.dma_semaphore, #tpu.memory_space<semaphore_mem>>) src(%arg13 : memref<128x128xf32, #tpu.memory_space<vmem>>) dst(%dma_wait3A_142 : memref<10000x128xf32, #tpu.memory_space<vmem_shared>>)
    } else {
    }
    %not3A = arith.constant true
    %not3A_96 = arith.xori %lt3A_10, %not3A : i1
    %convert_element_type3A_97 = arith.extui %not3A_96 : i1 to i32
    %cond3A_98 = arith.constant 0 : i32
    %cond3A_99 = arith.cmpi ne, %convert_element_type3A_97, %cond3A_98 : i32
    scf.if %cond3A_99 {
      %dma_wait3A_111 = arith.constant 1 : i32
      %dma_wait3A_112 = arith.constant 0 : i32
      %dma_wait3A_113 = arith.constant 0 : i32
      %dma_wait3A_114 = tpu.memref_slice %arg12[%dma_wait3A_111, %dma_wait3A_112, %dma_wait3A_113] : memref<2x1x128xi32, #tpu.memory_space<vmem>> -> memref<1x1x128xi32, #tpu.memory_space<vmem>>
      %dma_wait3A_115 = tpu.memref_squeeze %dma_wait3A_114 : memref<1x1x128xi32, #tpu.memory_space<vmem>> -> memref<128xi32, #tpu.memory_space<vmem>>
      %dma_wait3A_116 = arith.constant 0 : i32
      %dma_wait3A_117 = arith.constant 0 : i32
      %dma_wait3A_118 = tpu.memref_slice %arg16[%dma_wait3A_116, %dma_wait3A_117] : memref<10000x128xf32, #tpu.memory_space<vmem_shared>> -> memref<10000x128xf32, #tpu.memory_space<vmem_shared>>
      tpu.wait_indirect_dma semaphore(%arg22 : memref<!tpu.dma_semaphore, #tpu.memory_space<semaphore_mem>>) src(%arg15 : memref<128x128xf32, #tpu.memory_space<vmem>>) dst(%dma_wait3A_118 : memref<10000x128xf32, #tpu.memory_space<vmem_shared>>)
    } else {
    }
    %barrier3A_100 = arith.constant 0 : index
    tpu.barrier barrier_id(%barrier3A_100)
    %lt3A_101 = arith.constant 15 : i32
    %lt3A_102 = arith.cmpi slt, %arg1, %lt3A_101 : i32
    %convert_element_type3A_103 = arith.extui %lt3A_102 : i1 to i32
    %cond3A_104 = arith.constant 0 : i32
    %cond3A_105 = arith.cmpi ne, %convert_element_type3A_103, %cond3A_104 : i32
    scf.if %cond3A_105 {
      "tpu.region"() ({
        %run_scoped3A = tpu.sem_alloc : memref<!tpu.dma_semaphore, #tpu.memory_space<semaphore_mem>>
        %dma_start3A_111 = arith.constant 0 : i32
        %dma_start3A_112 = tpu.memref_slice %arg6[%arg0, %mul3A_2, %dma_start3A_111] : memref<2x10000x128xf32, #tpu.memory_space<hbm>> -> memref<1x632x128xf32, #tpu.memory_space<hbm>>
        %dma_start3A_113 = tpu.memref_squeeze %dma_start3A_112 : memref<1x632x128xf32, #tpu.memory_space<hbm>> -> memref<632x128xf32, #tpu.memory_space<hbm>>
        %dma_start3A_114 = arith.constant 0 : i32
        %dma_start3A_115 = tpu.memref_slice %arg16[%mul3A_2, %dma_start3A_114] : memref<10000x128xf32, #tpu.memory_space<vmem_shared>> -> memref<632x128xf32, #tpu.memory_space<vmem_shared>>
        tpu.enqueue_dma source(%dma_start3A_115 : memref<632x128xf32, #tpu.memory_space<vmem_shared>>) target(%dma_start3A_113 : memref<632x128xf32, #tpu.memory_space<hbm>>) target_semaphore(%run_scoped3A : memref<!tpu.dma_semaphore, #tpu.memory_space<semaphore_mem>>)
        %dma_wait3A_116 = arith.constant 0 : i32
        %dma_wait3A_117 = tpu.memref_slice %arg6[%arg0, %mul3A_2, %dma_wait3A_116] : memref<2x10000x128xf32, #tpu.memory_space<hbm>> -> memref<1x632x128xf32, #tpu.memory_space<hbm>>
        %dma_wait3A_118 = tpu.memref_squeeze %dma_wait3A_117 : memref<1x632x128xf32, #tpu.memory_space<hbm>> -> memref<632x128xf32, #tpu.memory_space<hbm>>
        %dma_wait3A_119 = arith.constant 0 : i32
        %dma_wait3A_120 = tpu.memref_slice %arg16[%mul3A_2, %dma_wait3A_119] : memref<10000x128xf32, #tpu.memory_space<vmem_shared>> -> memref<632x128xf32, #tpu.memory_space<vmem_shared>>
        tpu.wait_dma2 semaphore(%run_scoped3A : memref<!tpu.dma_semaphore, #tpu.memory_space<semaphore_mem>>) src(%dma_wait3A_120 : memref<632x128xf32, #tpu.memory_space<vmem_shared>>) dst(%dma_wait3A_118 : memref<632x128xf32, #tpu.memory_space<hbm>>)
        tpu.yield
      }) : () -> ()
    } else {
    }
    %eq3A_106 = arith.constant 15 : i32
    %eq3A_107 = arith.cmpi eq, %arg1, %eq3A_106 : i32
    %convert_element_type3A_108 = arith.extui %eq3A_107 : i1 to i32
    %cond3A_109 = arith.constant 0 : i32
    %cond3A_110 = arith.cmpi ne, %convert_element_type3A_108, %cond3A_109 : i32
    scf.if %cond3A_110 {
      "tpu.region"() ({
        %run_scoped3A = tpu.sem_alloc : memref<!tpu.dma_semaphore, #tpu.memory_space<semaphore_mem>>
        %dma_start3A_111 = arith.constant 0 : i32
        %dma_start3A_112 = tpu.memref_slice %arg6[%arg0, %mul3A_2, %dma_start3A_111] : memref<2x10000x128xf32, #tpu.memory_space<hbm>> -> memref<1x520x128xf32, #tpu.memory_space<hbm>>
        %dma_start3A_113 = tpu.memref_squeeze %dma_start3A_112 : memref<1x520x128xf32, #tpu.memory_space<hbm>> -> memref<520x128xf32, #tpu.memory_space<hbm>>
        %dma_start3A_114 = arith.constant 0 : i32
        %dma_start3A_115 = tpu.memref_slice %arg16[%mul3A_2, %dma_start3A_114] : memref<10000x128xf32, #tpu.memory_space<vmem_shared>> -> memref<520x128xf32, #tpu.memory_space<vmem_shared>>
        tpu.enqueue_dma source(%dma_start3A_115 : memref<520x128xf32, #tpu.memory_space<vmem_shared>>) target(%dma_start3A_113 : memref<520x128xf32, #tpu.memory_space<hbm>>) target_semaphore(%run_scoped3A : memref<!tpu.dma_semaphore, #tpu.memory_space<semaphore_mem>>)
        %dma_wait3A_116 = arith.constant 0 : i32
        %dma_wait3A_117 = tpu.memref_slice %arg6[%arg0, %mul3A_2, %dma_wait3A_116] : memref<2x10000x128xf32, #tpu.memory_space<hbm>> -> memref<1x520x128xf32, #tpu.memory_space<hbm>>
        %dma_wait3A_118 = tpu.memref_squeeze %dma_wait3A_117 : memref<1x520x128xf32, #tpu.memory_space<hbm>> -> memref<520x128xf32, #tpu.memory_space<hbm>>
        %dma_wait3A_119 = arith.constant 0 : i32
        %dma_wait3A_120 = tpu.memref_slice %arg16[%mul3A_2, %dma_wait3A_119] : memref<10000x128xf32, #tpu.memory_space<vmem_shared>> -> memref<520x128xf32, #tpu.memory_space<vmem_shared>>
        tpu.wait_dma2 semaphore(%run_scoped3A : memref<!tpu.dma_semaphore, #tpu.memory_space<semaphore_mem>>) src(%dma_wait3A_120 : memref<520x128xf32, #tpu.memory_space<vmem_shared>>) dst(%dma_wait3A_118 : memref<520x128xf32, #tpu.memory_space<hbm>>)
        tpu.yield
      }) : () -> ()
    } else {
    }
    return
  }
}

module attributes {stable_mosaic.version = 14 : i64} {
  func.func @_tc_linear_body(%arg0: i32, %arg1: memref<2x1000x128xf32, #tpu.memory_space<vmem>>, %arg2: memref<128x128xf32, #tpu.memory_space<vmem>>, %arg3: memref<1x128xf32, #tpu.memory_space<vmem>>, %arg4: memref<1000x128xf32, #tpu.memory_space<vmem>>) attributes {dimension_semantics = [#tpu.dimension_semantics<arbitrary>], iteration_bounds = array<i64: 10>, scalar_prefetch = 0 : i64, scratch_operands = 0 : i64, tpu.core_type = #tpu.core_type<tc>, window_params = [{transform_indices = @transform_0, window_bounds = array<i64: 2, 1000, 128>}, {pipeline_mode = #tpu.pipeline_mode<synchronous>, transform_indices = @transform_1, window_bounds = array<i64: 128, 128>}, {pipeline_mode = #tpu.pipeline_mode<synchronous>, transform_indices = @transform_2, window_bounds = array<i64: 1, 128>}, {transform_indices = @transform_3, window_bounds = array<i64: 1000, 128>}]} {
    %get3A = arith.constant 0 : index
    %get3A_0 = arith.constant 0 : index
    %get3A_1 = arith.constant 0 : index
    %get3A_2 = vector.load %arg1[%get3A, %get3A_0, %get3A_1] : memref<2x1000x128xf32, #tpu.memory_space<vmem>>, vector<1x1000x128xf32>
    %get3A_3 = vector.shape_cast %get3A_2 : vector<1x1000x128xf32> to vector<1000x128xf32>
    %get3A_4 = arith.constant 1 : index
    %get3A_5 = arith.constant 0 : index
    %get3A_6 = arith.constant 0 : index
    %get3A_7 = vector.load %arg1[%get3A_4, %get3A_5, %get3A_6] : memref<2x1000x128xf32, #tpu.memory_space<vmem>>, vector<1x1000x128xf32>
    %get3A_8 = vector.shape_cast %get3A_7 : vector<1x1000x128xf32> to vector<1000x128xf32>
    %add3A = arith.addf %get3A_3, %get3A_8 : vector<1000x128xf32>
    %get3A_9 = arith.constant 0 : index
    %get3A_10 = arith.constant 0 : index
    %get3A_11 = vector.load %arg2[%get3A_9, %get3A_10] : memref<128x128xf32, #tpu.memory_space<vmem>>, vector<128x128xf32>
    %dot_general3A = arith.constant dense<0.000000e+00> : vector<1000x128xf32>
    %dot_general3A_12 = tpu.matmul %add3A, %get3A_11, %dot_general3A {dimension_numbers = #tpu.dot_dimension_numbers<[1], [0], [0], [1], [0, 0, 1, 1], [], []>, transpose_lhs_hint = false} : vector<1000x128xf32>, vector<128x128xf32>, vector<1000x128xf32> -> vector<1000x128xf32>
    %get3A_13 = arith.constant 0 : index
    %get3A_14 = arith.constant 0 : index
    %get3A_15 = vector.load %arg3[%get3A_13, %get3A_14] : memref<1x128xf32, #tpu.memory_space<vmem>>, vector<1x128xf32>
    %add3A_16 = vector.broadcast %get3A_15 : vector<1x128xf32> to vector<1000x128xf32>
    %add3A_17 = arith.addf %dot_general3A_12, %add3A_16 : vector<1000x128xf32>
    %max3A = arith.constant 0.000000e+00 : f32
    %max3A_18 = vector.broadcast %max3A : f32 to vector<1000x128xf32>
    %max3A_19 = arith.maximumf %add3A_17, %max3A_18 : vector<1000x128xf32>
    %swap3A = arith.constant 0 : index
    %swap3A_20 = arith.constant 0 : index
    %swap3A_21 = vector.load %arg4[%swap3A, %swap3A_20] : memref<1000x128xf32, #tpu.memory_space<vmem>>, vector<1000x128xf32>
    tpu.vector_store %arg4[%swap3A, %swap3A_20], %max3A_19 {strides = array<i32>} : memref<1000x128xf32, #tpu.memory_space<vmem>>, vector<1000x128xf32>,
    return
  }
  func.func @transform_0(%arg0: i32) -> (i32, i32, i32) {
    %c0_i32 = arith.constant 0 : i32
    %c0_i32_0 = arith.constant 0 : i32
    %c0_i32_1 = arith.constant 0 : i32
    return %c0_i32, %arg0, %c0_i32_0 : i32, i32, i32
  }
  func.func @transform_1(%arg0: i32) -> (i32, i32) {
    %c0_i32 = arith.constant 0 : i32
    %c0_i32_0 = arith.constant 0 : i32
    %c0_i32_1 = arith.constant 0 : i32
    return %c0_i32, %c0_i32_0 : i32, i32
  }
  func.func @transform_2(%arg0: i32) -> (i32, i32) {
    %c0_i32 = arith.constant 0 : i32
    %c0_i32_0 = arith.constant 0 : i32
    %c0_i32_1 = arith.constant 0 : i32
    return %c0_i32, %c0_i32_0 : i32, i32
  }
  func.func @transform_3(%arg0: i32) -> (i32, i32) {
    %c0_i32 = arith.constant 0 : i32
    %c0_i32_0 = arith.constant 0 : i32
    return %arg0, %c0_i32 : i32, i32
  }
}

</mosaic_0001>

<sc_bundles>
// kernel: kernel.4.cloned.1.call-start
scs
__scs_entry_jumppad:
0x0: {  	(pc) =	sbr.rel $0x88, $3  }
0x1: {  	(tag) =	ssettag $0x0;
	lr =	simm.s32 $0x1  }
0x2: {  	[smem:$0x3F9D] =	sst lr;
	_ =	strace $0xD0000000  }
0x3: {  	_ = 	snop  }
0x4: {  	_ = 	snop  }
0x5: {  	_ = 	snop  }
0x6: {  	_ = 	snop  }
0x7: {  	_ = 	snop  }
__scs_overlays_trampoline_lowered:
0x8: {  	[smem:$0x3FAC] =	sst s0  }
0x9: {  	[smem:$0x3FAD] =	sst s1  }
0xa: {  	[smem:$0x3FAE] =	sst s2  }
0xb: {  	[smem:$0x3FAF] =	sst s3  }
0xc: {  	[smem:$0x3FB0] =	sst s4  }
0xd: {  	[smem:$0x3FB1] =	sst s5  }
0xe: {  	[smem:$0x3FB2] =	sst s6  }
0xf: {  	[smem:$0x3FB3] =	sst s7  }
0x10: {  	[smem:$0x3FB4] =	sst s8  }
0x11: {  	[smem:$0x3FB5] =	sst s9;
	s0 =	simm.s32 @!p0 $0x0  }
0x12: {  	s1 =	sld [smem:$0x3F9B];
	s0 =	simm.s32 @p0 $0x1  }
0x13: {  	[smem:$0x3FB6] =	sst s0;
	s0 =	simm.s32 @!p1 $0x0  }
0x14: {  	s2 =	sld [smem:$0x3F9A];
	s0 =	simm.s32 @p1 $0x1  }
0x15: {  	[smem:$0x3FB7] =	sst s0;
	s0 =	simm.s32 @!p2 $0x0  }
0x16: {  	s3 =	sld [smem:$0x3FDB];
	s0 =	simm.s32 @p2 $0x1  }
0x17: {  	s4 =	simm.s32 $0x1BF5;
	[smem:$0x3FB9] =	sst s0  }
0x18: {  	s0 =	sld [smem:$0x3F9C];
	_ =	swait.ge [sflag:s4], $0x0  }
0x19: {  	s7 =	sld [smem:$0x3F9D]  }
0x1a: {  	s8 =	sadd.s32 $0xFFFFE003, lr  }
0x1b: {  	s9 =	sadd.s32 $0xFFFFFEF7, lr;
	s5 =	simm.s32 $0xFFFFFFFF;
	p2 =	slt.u32 s8, $0xFFFFF086  }
0x1c: {  	p1 =	slt.u32 s9, $0xF7A;
	s5 =	simm.s32 @!p2 $0x0  }
0x1d: {  	s5 =	simm.s32 @p1 $0x1;
	p0 =	seq.s32 s7, s2  }
0x1e: {  	s7 =	smul.u32 @!p0 $0xF7A, s2;
	p2 =	seq.s32 @!p0 s5, $0x0  }
0x1f: {  	s9 =	smul.u32 $0xF7A, s1;
	s8 =	simm.s32 @!p0 $0x1BF5;
	p2 =	por !p2, p0  }
0x20: {  	[sflag:s8] =	ssyncset.s32 @!p0 $0xFFFFF086;
	s6 =	sadd.s32 @!p0 s3, s7;
	s7 =	simm.s32 @!p0 $0x108  }
0x21: {  	s3 =	sadd.s32 s3, s9;
	s6 =	sadd.s32 @!p0 $0x88, s6;
	s7 =	simm.s32 @p2 $0x1082  }
0x22: {  	[simem:s7], [sflag:s8] =	dma.local @!p0 [hbm:s6], $0xF7A  }
0x23: {  	s9 =	sor.u32 $0xD0000000, s2;
	s6 =	simm.s32 $0x108;
	_ =	swait.ge @!p0 [sflag:s8], $0x0  }
0x24: {  	s3 =	sadd.s32 $0x88, s3;
	s6 =	simm.s32 @!p1 $0x1082;
	[sflag:s4] =	ssyncset.s32 $0xFFFFF086  }
0x25: {  	[simem:s6], [sflag:s4] =	dma.local [hbm:s3], $0xF7A  }
0x26: {  	[smem:$0x3F9D] =	sst s1;
	(tag) =	ssettag s2;
	_ =	strace s9  }
0x27: {  	s1 =	sld [smem:$0x3FAD]  }
0x28: {  	s2 =	sld [smem:$0x3FAE]  }
0x29: {  	s4 =	sld [smem:$0x3FB0]  }
0x2a: {  	p0 =	seq.s32 s5, $0x0;
	s5 =	sld [smem:$0x3FB1]  }
0x2b: {  	s6 =	sld [smem:$0x3FB2]  }
0x2c: {  	s7 =	sld [smem:$0x3FB3]  }
0x2d: {  	s3 =	simm.s32 $0x108;
	s8 =	sld [smem:$0x3FB4]  }
0x2e: {  	s3 =	simm.s32 @!p0 $0x1082;
	s9 =	sld [smem:$0x3FB5]  }
0x2f: {  	lr =	sadd.s32 s0, s3;
	s0 =	sld [smem:$0x3FAC]  }
0x30: {  	s3 =	sld [smem:$0x3FAF]  }
0x31: {  	[smem:$0x3FB8] =	sst s10  }
0x32: {  	s10 =	sld [smem:$0x3FB6];
	_ =	sdelay $0x3  }
0x33: {  	p0 =	seq.s32 s10, $0x1;
	s10 =	sld [smem:$0x3FB8];
	_ =	sdelay $0x3  }
0x34: {  	[smem:$0x3FB8] =	sst s10  }
0x35: {  	s10 =	sld [smem:$0x3FB7];
	_ =	sdelay $0x3  }
0x36: {  	p1 =	seq.s32 s10, $0x1;
	s10 =	sld [smem:$0x3FB8];
	_ =	sdelay $0x3  }
0x37: {  	[smem:$0x3FB8] =	sst s10  }
0x38: {  	s10 =	sld [smem:$0x3FB9]  }
0x39: {  	_ = 	snop;
	(pc) =	sbr.ind lr, $3  }
0x3a: {  	_ = 	snop  }
0x3b: {  	_ = 	snop  }
0x3c: {  	p2 =	seq.s32 s10, $0x1;
	s10 =	sld [smem:$0x3FB8]  }
0x3d: {  	_ =	shalt  }
0x3e: {  	_ =	shalt  }
0x3f: {  	_ =	shalt  }
0x40: {  	_ =	shalt  }
0x41: {  	_ =	shalt  }
0x42: {  	_ =	shalt  }
0x43: {  	_ =	shalt  }
0x44: {  	_ =	shalt  }
0x45: {  	_ =	shalt  }
0x46: {  	_ =	shalt  }
0x47: {  	_ =	shalt  }
0x48: {  	_ =	shalt  }
0x49: {  	_ =	shalt  }
0x4a: {  	_ =	shalt  }
0x4b: {  	_ =	shalt  }
0x4c: {  	_ =	shalt  }
0x4d: {  	_ =	shalt  }
0x4e: {  	_ =	shalt  }
0x4f: {  	_ =	shalt  }
0x50: {  	_ =	shalt  }
0x51: {  	_ =	shalt  }
0x52: {  	_ =	shalt  }
0x53: {  	_ =	shalt  }
0x54: {  	_ =	shalt  }
0x55: {  	_ =	shalt  }
0x56: {  	_ =	shalt  }
0x57: {  	_ =	shalt  }
0x58: {  	_ =	shalt  }
0x59: {  	_ =	shalt  }
0x5a: {  	_ =	shalt  }
0x5b: {  	_ =	shalt  }
0x5c: {  	_ =	shalt  }
0x5d: {  	_ =	shalt  }
0x5e: {  	_ =	shalt  }
0x5f: {  	_ =	shalt  }
0x60: {  	_ =	shalt  }
0x61: {  	_ =	shalt  }
0x62: {  	_ =	shalt  }
0x63: {  	_ =	shalt  }
0x64: {  	_ =	shalt  }
0x65: {  	_ =	shalt  }
0x66: {  	_ =	shalt  }
0x67: {  	_ =	shalt  }
0x68: {  	_ =	shalt  }
0x69: {  	_ =	shalt  }
0x6a: {  	_ =	shalt  }
0x6b: {  	_ =	shalt  }
0x6c: {  	_ =	shalt  }
0x6d: {  	_ =	shalt  }
0x6e: {  	_ =	shalt  }
0x6f: {  	_ =	shalt  }
0x70: {  	_ =	shalt  }
0x71: {  	_ =	shalt  }
0x72: {  	_ =	shalt  }
0x73: {  	_ =	shalt  }
0x74: {  	_ =	shalt  }
0x75: {  	_ =	shalt  }
0x76: {  	_ =	shalt  }
0x77: {  	_ =	shalt  }
0x78: {  	_ =	shalt  }
0x79: {  	_ =	shalt  }
0x7a: {  	_ =	shalt  }
0x7b: {  	_ =	shalt  }
0x7c: {  	_ =	shalt  }
0x7d: {  	_ =	shalt  }
0x7e: {  	_ =	shalt  }
0x7f: {  	_ =	shalt  }
0x80: {  	_ =	shalt  }
0x81: {  	_ =	shalt  }
0x82: {  	_ =	shalt  }
0x83: {  	_ =	shalt  }
0x84: {  	_ =	shalt  }
0x85: {  	_ =	shalt  }
0x86: {  	_ =	shalt  }
0x87: {  	_ =	shalt  }
.Lfunc_end0:
.L_simem_size_0:
called_computation_lowered:
.L_overlay_start_0:
0x88: {  	s2 =	sld [smem:$0x3FD9]  }
0x89: {  	s3 =	sld [smem:$0x3FFE];
	_ =	sdelay $0x1  }
0x8a: {  	s1 =	srdreg.scid  }
0x8b: {  	s0 =	sand.u32 $0x1, s1  }
0x8c: {  	s17 =	sshll.u32 s0, $0xA;
	s2 =	sadd.s32 s3, s2  }
0x8d: {  	s2 =	sadd.s32 s2, s17  }
0x8e: {  	[smem:$0x3FC4] =	sst s2  }
0x8f: {  	_ = 	snop  }
0x90: {  	s2 =	sld [smem:$0x3FC9]  }
0x91: {  	s18 =	sld [smem:$0x3FD0];
	(tm) =	ssettm $0x1  }
0x92: {  	s4 =	sld [smem:$0x3FFB];
	_ =	sdelay $0x3  }
0x93: {  	_ =	strace s4  }
0x94: {  	s4 =	sld [smem:$0x3FFC];
	_ =	sdelay $0x3  }
0x95: {  	_ =	strace s4  }
0x96: {  	s4 =	sld [smem:$0x3FFD];
	_ =	sdelay $0x3  }
0x97: {  	_ =	strace s4  }
0x98: {  	_ =	strace $0x8FFFFFFF  }
0x99: {  	s19 =	sld [smem:$0x3FDB];
	_ =	sdelay $0x1  }
0x9a: {  	s5 =	simm.s32 $_scs_section_size  }
0x9b: {  	s6 =	simm.s32 $_size__tile_overlayer_lowered;
	s7 =	simm.s32 $_tile_overlayer_lowered  }
0x9c: {  	s22 =	simm.s32 $0x1BFF;
	s21 =	sshll.u32 s7, $0x1;
	s4 =	sadd.s32 s5, s19  }
0x9d: {  	s8 =	simm.s32 $0x0;
	s20 =	sshll.u32 s6, $0x1;
	s6 =	sadd.s32 s21, s4  }
0x9e: {  	[timem:s8], [sflag:s22] =	dma.local [hbm:s6], s20  }
0x9f: {  	_ =	swait.ge [sflag:s22], s20  }
0xa0: {  	s5 =	ssub.s32 $0x0, s20;
	[sflag:s22] =	ssyncset.done $0x0  }
0xa1: {  	[sflag:s22] =	ssyncadd.s32 s5;
	_ =	sdelay $0x1  }
0xa2: {  	s23 =	simm.s32 $0x1B8B  }
0xa3: {  	_ =	swait.ge [sflag:s23], $0x1  }
0xa4: {  	[sflag:s23] =	ssyncset.done $0x0  }
0xa5: {  	s25 =	simm.s32 $0x1B8E;
	s24 =	sld [smem:$0x3FFE];
	[sflag:s23] =	ssyncadd.s32 $0xFFFFFFFF  }
0xa6: {  	s26 =	simm.s32 $execute0_lowered;
	[smem:$0x3FD2] =	sst s25  }
0xa7: {  	s6 =	sshll.u32 s26, $0x1;
	_ =	strace $0x80000046;
	[dreg:$0x1] =	wrdreg $0xFFFFFFFF  }
0xa8: {  	s28 =	simm.s32 $_size_execute0_lowered;
	s4 =	sadd.s32 s4, s6;
	[dreg:$0x0] =	wrdreg $0x0  }
0xa9: {  	s6 =	sshll.u32 s28, $0x1;
	[dreg:$0x2] =	wrdreg s4  }
0xaa: {  	[dreg:$0x3] =	wrdreg s6  }
0xab: {  	[dreg:$0x4] =	wrdreg $0xC0  }
0xac: {  	_ =	task [dreg:s8], $0x5FFFF  }
0xad: {  	[dreg:$0x1] =	wrdreg $0xFFFFFFFF  }
0xae: {  	[dreg:$0x0] =	wrdreg $0x60  }
0xaf: {  	[dreg:$0x2] =	wrdreg s24  }
0xb0: {  	[dreg:$0x3] =	wrdreg s2  }
0xb1: {  	[dreg:$0x4] =	wrdreg s18  }
0xb2: {  	[dreg:$0x5] =	wrdreg $0xC6000  }
0xb3: {  	[dreg:$0x6] =	wrdreg $0x9  }
0xb4: {  	_ =	task.clear_ibuf [dreg:s8], $0x7FFFF;
	_ =	strace $0x90000046  }
0xb5: {  	s29 =	simm.s32 $0x9;
	_ =	strace $0x80000048  }
0xb6: {  	_ =	swait.ge [sflag:s29], $0x1  }
0xb7: {  	[sflag:s29] =	ssyncadd.s32 $0xFFFFFFFF  }
0xb8: {  	_ =	strace $0x90000048  }
0xb9: {  	_ =	sfence  }
0xba: {  	s30 =	sld [smem:$0x0];
	_ =	sdelay $0x2  }
0xbb: {  	s31 =	sshll.u32 s1, $0xD;
	s1 =	sshrl.u32 s1, $0x2  }
0xbc: {  	s3 =	sand.u32 $0x4000, s31;
	s1 =	sadd.s32 s1, s30  }
0xbd: {  	s0 =	sor.u32 s3, s0;
	s1 =	sshll.u32 s1, $0x11  }
0xbe: {  	s0 =	sor.u32 s1, s0  }
0xbf: {  	s0 =	sadd.s32 $0x8F2B, s0  }
0xc0: {  	[sflag:s0] =	ssyncadd.remote.s32 $0x1  }
0xc1: {  	_ =	sfence.sel $0xFFFF  }
0xc2: {  	[dreg:$0x0] =	wrdreg $0xFFFFFFFF;
	(pc) =	sbr.abs _section_cstart, $3  }
0xc3: {  	[dreg:$0x1] =	wrdreg $0xFFFFFFFF  }
0xc4: {  	_ =	task.clear_ibuf [dreg:s8], $0x2FFFF;
	_ =	strace $0x9FFFFFFF  }
0xc5: {  	(tm) =	ssettm $0x7FFFFFFF  }
tec
execute0_lowered:
.L_overlay_start_1:
0x0: {  	(tag) =	ssettag $0x1  }
0x1: {  	s0 =	rddreg [dreg:$0x0]  }
0x2: {  	s1 =	rddreg [dreg:$0x1]  }
0x3: {  	s4 =	rddreg [dreg:$0x2]  }
0x4: {  	s2 =	rddreg [dreg:$0x3];
	s3 =	simm.s32 $0x0  }
0x5: {  	s5 =	srdreg.scid;
	s28 =	simm.s32 $0x4600;
	s29 =	simm.s32 $0x1  }
0x6: {  	s30 =	simm.s32 $0x8;
	s31 =	simm.s32 $0x8600;
	[smem:$0x7FF] =	sst s3  }
0x7: {  	s6 =	sadd.s32 $0xAA00, s0;
	s8 =	sadd.s32 $0xC00, s0;
	s3 =	stileid.u32  }
0x8: {  	s10 =	sand.u32 $0x1, s5;
	s0 =	sadd.s32 $0x14800, s0;
	s16 =	sadd.s32 $0x128400, s2  }
0x9: {  	_ =	strace $0x80000047;
	s5 =	ssub.s32 $0x2, s10;
	s7 =	smul.u32 $0x4F000, s3  }
0xa: {  	s11 =	sshll.u32 s3, $0x1;
	s12 =	smul.u32 $0x2780, s3;
	[dreg:$0x13] =	wrdreg s16  }
0xb: {  	p0 =	slt.u32 s3, $0x2;
	s18 =	smul.u32 $0x9C, s3;
	s9 =	sshrl.u32 s5, $0x1  }
0xc: {  	p1 =	sgt.u32 s3, $0x1;
	s26 =	sor.u32 s10, s11;
	s13 =	ssub.s32 s5, s9  }
0xd: {  	s14 =	sshrl.u32 s7, $0x2;
	s15 =	sadd.s32 s4, s12;
	s11 =	smul.u32 $0x4E, s26  }
0xe: {  	s4 =	sadd.s32 $0x25080, s4;
	s17 =	smin.u32 s26, $0x4;
	s9 =	simm.s32 $0x4F  }
0xf: {  	s5 =	sadd.s32 s14, s2;
	[dreg:$0x12] =	wrdreg s15;
	s15 =	smul.u32 $0x4E, s10  }
0x10: {  	[dreg:$0x14] =	wrdreg s4;
	s9 =	simm.s32 @!p0 $0x4E;
	s10 =	smul.u32 $0x138800, s10  }
0x11: {  	p0 =	seq.s32 s3, $0xF;
	[dreg:$0x11] =	wrdreg s5;
	s11 =	sadd.s32 s17, s11  }
0x12: {  	s25 =	sadd.s32 $0xFFFFFFF9, s9;
	s11 =	sshll.u32 s11, $0x4;
	s12 =	sadd.s32 s15, s18  }
0x13: {  	s26 =	sshrl.u32 s10, $0x3;
	[dreg:$0x5] =	wrdreg s25;
	s15 =	smul.u32 $0x13C00, s3  }
0x14: {  	s25 =	simm.s32 $0x280;
	s19 =	sadd.s32 s6, s11;
	s14 =	sadd.s32 $0x20, s11  }
0x15: {  	s20 =	sadd.s32 s8, s11;
	s11 =	sadd.s32 $0x40, s11;
	[dreg:$0xf] =	wrdreg s25  }
0x16: {  	s4 =	sadd.s32 s17, s12;
	s5 =	sadd.s32 s0, s26;
	[dreg:$0x15] =	wrdreg s19  }
0x17: {  	s26 =	simm.s32 $0x580;
	s25 =	simm.s32 $0x80;
	[dreg:$0x16] =	wrdreg s20  }
0x18: {  	s21 =	sadd.s32 s6, s14;
	s22 =	sadd.s32 s8, s14;
	[dreg:$0x10] =	wrdreg s26  }
0x19: {  	s23 =	sadd.s32 s6, s11;
	s24 =	sadd.s32 s8, s11;
	[dreg:$0x17] =	wrdreg s21  }
0x1a: {  	s4 =	sshll.u32 s4, $0x4;
	s14 =	sadd.s32 $0x25080, s5;
	[dreg:$0x18] =	wrdreg s22  }
0x1b: {  	s10 =	sadd.s32 s15, s10;
	s26 =	simm.s32 $0x600;
	[dreg:$0x19] =	wrdreg s23  }
0x1c: {  	s11 =	simm.s32 $0x0;
	[dreg:$0x1a] =	wrdreg s24;
	s7 =	sadd.s32 $0x40, s4  }
0x1d: {  	[dreg:$0x1b] =	wrdreg s14;
	s17 =	sadd.s32 $0x80, s4;
	s20 =	sshrl.u32 s10, $0x3  }
0x1e: {  	s21 =	smax.u32 s13, $0x1;
	s22 =	simm.s32 $0x380;
	s23 =	simm.s32 $0x180  }
0x1f: {  	s24 =	simm.s32 $0x480;
	s16 =	sadd.s32 s7, s6;
	[dreg:$0x1d] =	wrdreg s21  }
0x20: {  	s12 =	sadd.s32 s7, s8;
	s18 =	sadd.s32 s17, s6;
	[dreg:$0xc] =	wrdreg s22  }
0x21: {  	s19 =	sadd.s32 s17, s8;
	s6 =	sadd.s32 s4, s6;
	[dreg:$0xd] =	wrdreg s23  }
0x22: {  	s4 =	sadd.s32 s4, s8;
	s0 =	sadd.s32 s0, s20;
	[dreg:$0xe] =	wrdreg s24  }
0x23: {  	s20 =	simm.s32 $0x100;
	s21 =	simm.s32 $0x400;
	[dreg:$0x6] =	wrdreg s16  }
0x24: {  	s22 =	simm.s32 $0x200;
	s23 =	simm.s32 $0x500;
	[dreg:$0x7] =	wrdreg s12  }
.Ltmp0:
0x25: {  	s17 =	simm.s32 $0x3;
	[dreg:$0x8] =	wrdreg s18;
	(pc) =	sbr.rel .LBB2_1-.Ltmp0, $4  }
0x26: {  	s8 =	simm.s32 $0x6;
	[dreg:$0x9] =	wrdreg s19;
	s6 =	sadd.s32 $0x60, s6  }
0x27: {  	s4 =	sadd.s32 $0x60, s4;
	[dreg:$0x1c] =	wrdreg s0;
	s19 =	simm.s32 $0x300  }
0x28: {  	s0 =	simm.s32 $0x2;
	s16 =	simm.s32 $0x4;
	[dreg:$0xa] =	wrdreg s6  }
0x29: {  	[dreg:$0xb] =	wrdreg s4;
	s4 =	simm.s32 $0x5;
	s6 =	simm.s32 $0x9  }
.LBB2_7:
0x2a: {  	s3 =	rddreg [dreg:$0x13]  }
0x2b: {  	s5 =	rddreg [dreg:$0x1b]  }
0x2c: {  	s7 =	simm.s32 $0x1FCA;
	s24 =	simm.s32 $0xA;
	s3 =	sshrl.u32 s3, $0x3  }
0x2d: {  	[hbm:s5], [sflag:s7] =	dma.local [spmem:s3], $0x2080  }
0x2e: {  	_ =	swait.ge [sflag:s24], $0x2080  }
0x2f: {  	[sflag:s24] =	ssyncset.done $0x0  }
0x30: {  	[sflag:s24] =	ssyncadd.s32 $0xFFFFDF80  }
.LBB2_8:
0x31: {  	s11 =	sadd.s32 $0x1, s11;
	s3 =	rddreg [dreg:$0x1d]  }
0x32: {  	p2 =	sne.s32 s11, s3  }
.Ltmp1:
0x33: {  	_ = 	snop;
	(pc) =	sbr.rel @!p2 .LBB2_9-.Ltmp1, $1  }
0x34: {  	_ =	sdelay $0x3  }
.LBB2_1:
0x35: {  	s3 =	rddreg [dreg:$0x13]  }
0x36: {  	s13 =	simm.s32 @p0 $0x1FCA;
	s12 =	sshrl.u32 @p0 s3, $0x3;
	s3 =	rddreg [dreg:$0x14]  }
0x37: {  	[spmem:s12], [sflag:s13] =	dma.local @p0 [hbm:s3], $0x2080  }
0x38: {  	s12 =	simm.s32 @p0 $0xA  }
0x39: {  	_ =	swait.ge @p0 [sflag:s12], $0x2080  }
0x3a: {  	s3 =	stileid.u32;
	[sflag:s12] =	ssyncset.done @p0 $0x0  }
0x3b: {  	s13 =	sshll.u32 @!p0 s3, $0x6;
	s3 =	rddreg [dreg:$0x11];
	[sflag:s12] =	ssyncadd.s32 @p0 $0xFFFFDF80  }
0x3c: {  	s12 =	sor.u32 @!p0 $0x1C0A, s13;
	s13 =	sshrl.u32 @!p0 s3, $0x3;
	s3 =	rddreg [dreg:$0x12]  }
0x3d: {  	[spmem:s13], [sflag:s12] =	dma.local @!p0 [hbm:s3], $0x2780  }
0x3e: {  	s12 =	simm.s32 @!p0 $0xA  }
0x3f: {  	_ =	swait.ge @!p0 [sflag:s12], $0x2780  }
0x40: {  	[sflag:s12] =	ssyncset.done @!p0 $0x0  }
0x41: {  	[sflag:s12] =	ssyncadd.s32 @!p0 $0xFFFFD880  }
0x42: {  	[bflag:$0x0] =	sbarrier.arrive $0xFFFF  }
0x43: {  	s14 =	simm.s32 $0x0;
	s5 =	rddreg [dreg:$0x15]  }
0x44: {  	[tilespmem:s14], [sflag:$0x7] =	stream.linear.gather [hbm4b:s5+s14], $0x100, $0x38;
	[tilespmem:$0x1FE80] =	vst v63  }
0x45: {  	s15 =	rddreg [dreg:$0x16]  }
0x46: {  	[tilespmem:s19], [sflag:$0x7] =	stream.linear.gather [hbm4b:s15+s14], $0x100, $0x38;
	[tilespmem:$0x1FE80] =	vst v63  }
0x47: {  	s18 =	rddreg [dreg:$0x17]  }
0x48: {  	[tilespmem:s20], [sflag:$0x8] =	stream.linear.gather [hbm4b:s18+s14], $0x100, $0x38;
	[tilespmem:$0x1FE80] =	vst v63  }
0x49: {  	s24 =	rddreg [dreg:$0x18]  }
0x4a: {  	[tilespmem:s21], [sflag:$0x8] =	stream.linear.gather [hbm4b:s24+s14], $0x100, $0x38;
	[tilespmem:$0x1FE80] =	vst v63  }
0x4b: {  	s7 =	rddreg [dreg:$0x19]  }
0x4c: {  	[tilespmem:s22], [sflag:$0x9] =	stream.linear.gather [hbm4b:s7+s14], $0x100, $0x38;
	[tilespmem:$0x1FE80] =	vst v63  }
0x4d: {  	s12 =	simm.s32 $0x7;
	s10 =	rddreg [dreg:$0x1a]  }
0x4e: {  	[tilespmem:s23], [sflag:$0x9] =	stream.linear.gather [hbm4b:s10+s14], $0x100, $0x38;
	[tilespmem:$0x1FE80] =	vst v63  }
0x4f: {  	_ =	swait.ge [sflag:s12], $0x100  }
0x50: {  	[sflag:s12] =	ssyncset.done $0x0  }
0x51: {  	[sflag:s12] =	ssyncadd.s32 $0xFFFFFF00  }
0x52: {  	_ =	swait.ge [sflag:s12], $0x100  }
0x53: {  	[sflag:s12] =	ssyncset.done $0x0  }
0x54: {  	[sflag:s12] =	ssyncadd.s32 $0xFFFFFF00  }
0x55: {  	[tilespmem:s26], [sflag:$0x1] =	stream.indirect.gather [hbm4b:s1+s25], $0x80, s14, s25, $0xb8;
	[tilespmem:$0x1FE80] =	vst v63  }
0x56: {  	_ = 	snop  }
0x57: {  	[tilespmem:s28], [sflag:$0x2] =	stream.indirect.gather [hbm4b:s1+s25], $0x80, s25, s25, $0xb8;
	[tilespmem:$0x1FE80] =	vst v63  }
0x58: {  	_ =	swait.ge [sflag:s29], $0x4000  }
0x59: {  	p2 =	por $0x1, $0x1;
	[sflag:s29] =	ssyncset.done $0x0  }
0x5a: {  	s12 =	simm.s32 @!p2 $0x6;
	[sflag:s29] =	ssyncadd.s32 $0xFFFFC000  }
0x5b: {  	[spmem:s2] =	stream.indirect.scatter.add.f32 [tilespmem:s26], [sflag:$0x4], $0x80, s19, s25, $0xb8;
	[tilespmem:$0x1FE80] =	vst v63  }
0x5c: {  	_ =	swait.ge @!p2 [sflag:s12], $0x4000  }
0x5d: {  	[sflag:s12] =	ssyncset.done @!p2 $0x0  }
0x5e: {  	[sflag:s12] =	ssyncadd.s32 @!p2 $0xFFFFC000  }
0x5f: {  	_ =	swait.ge [sflag:s30], $0x100  }
0x60: {  	[sflag:s30] =	ssyncset.done $0x0  }
0x61: {  	[sflag:s30] =	ssyncadd.s32 $0xFFFFFF00  }
0x62: {  	_ =	swait.ge [sflag:s30], $0x100  }
0x63: {  	[sflag:s30] =	ssyncset.done $0x0  }
0x64: {  	s15 =	simm.s32 @!p2 $0x200;
	s12 =	rddreg [dreg:$0x6];
	[sflag:s30] =	ssyncadd.s32 $0xFFFFFF00  }
0x65: {  	[tilespmem:s31], [sflag:$0x3] =	stream.indirect.gather [hbm4b:s1+s25], $0x80, s20, s25, $0xb8;
	[tilespmem:$0x1FE80] =	vst v63  }
0x66: {  	s14 =	simm.s32 @!p2 $0x0;
	s13 =	rddreg [dreg:$0x7];
	s12 =	sadd.s32 @!p2 $0x0, s12  }
0x67: {  	[tilespmem:s15], [sflag:$0x9] =	stream.linear.gather @!p2 [hbm4b:s12+s14], $0x100, $0x38;
	[tilespmem:$0x1FE80] =	vst v63  }
0x68: {  	s13 =	sadd.s32 @!p2 $0x0, s13;
	s12 =	simm.s32 @!p2 $0x500  }
0x69: {  	[tilespmem:s12], [sflag:$0x9] =	stream.linear.gather @!p2 [hbm4b:s13+s14], $0x100, $0x38;
	[tilespmem:$0x1FE80] =	vst v63  }
0x6a: {  	_ =	swait.ge [sflag:s0], $0x4000  }
0x6b: {  	[sflag:s0] =	ssyncset.done $0x0  }
0x6c: {  	s13 =	rddreg [dreg:$0xc];
	[sflag:s0] =	ssyncadd.s32 $0xFFFFC000  }
0x6d: {  	[spmem:s2] =	stream.indirect.scatter.add.f32 [tilespmem:s28], [sflag:$0x5], $0x80, s13, s25, $0xb8;
	[tilespmem:$0x1FE80] =	vst v63  }
0x6e: {  	_ =	swait.ge [sflag:s16], $0x4000  }
0x6f: {  	[sflag:s16] =	ssyncset.done $0x0  }
0x70: {  	s14 =	rddreg [dreg:$0xd];
	[sflag:s16] =	ssyncadd.s32 $0xFFFFC000  }
0x71: {  	[tilespmem:s26], [sflag:$0x1] =	stream.indirect.gather [hbm4b:s1+s25], $0x80, s14, s25, $0xb8;
	[tilespmem:$0x1FE80] =	vst v63  }
0x72: {  	_ =	swait.ge [sflag:s17], $0x4000  }
0x73: {  	[sflag:s17] =	ssyncset.done $0x0  }
0x74: {  	[sflag:s17] =	ssyncadd.s32 $0xFFFFC000  }
0x75: {  	[spmem:s2] =	stream.indirect.scatter.add.f32 [tilespmem:s31], [sflag:$0x6], $0x80, s21, s25, $0xb8;
	[tilespmem:$0x1FE80] =	vst v63  }
0x76: {  	_ =	swait.ge [sflag:s4], $0x4000  }
0x77: {  	[sflag:s4] =	ssyncset.done $0x0  }
0x78: {  	[sflag:s4] =	ssyncadd.s32 $0xFFFFC000  }
0x79: {  	_ =	swait.ge [sflag:s6], $0x100  }
0x7a: {  	[sflag:s6] =	ssyncset.done $0x0  }
0x7b: {  	[sflag:s6] =	ssyncadd.s32 $0xFFFFFF00  }
0x7c: {  	_ =	swait.ge [sflag:s6], $0x100  }
0x7d: {  	[sflag:s6] =	ssyncset.done $0x0  }
0x7e: {  	p2 =	sle.u32 s9, $0x6;
	s12 =	rddreg [dreg:$0xa];
	[sflag:s6] =	ssyncadd.s32 $0xFFFFFF00  }
0x7f: {  	[tilespmem:s28], [sflag:$0x2] =	stream.indirect.gather [hbm4b:s1+s25], $0x80, s22, s25, $0xb8;
	[tilespmem:$0x1FE80] =	vst v63  }
0x80: {  	s14 =	simm.s32 @!p2 $0x0;
	s13 =	rddreg [dreg:$0xb];
	s12 =	sadd.s32 @!p2 $0x0, s12  }
0x81: {  	[tilespmem:s14], [sflag:$0x7] =	stream.linear.gather @!p2 [hbm4b:s12+s14], $0x100, $0x38;
	[tilespmem:$0x1FE80] =	vst v63  }
0x82: {  	s13 =	sadd.s32 @!p2 $0x0, s13;
	s12 =	simm.s32 @!p2 $0x300  }
0x83: {  	[tilespmem:s12], [sflag:$0x7] =	stream.linear.gather @!p2 [hbm4b:s13+s14], $0x100, $0x38;
	[tilespmem:$0x1FE80] =	vst v63  }
0x84: {  	_ =	swait.ge [sflag:s29], $0x4000  }
0x85: {  	[sflag:s29] =	ssyncset.done $0x0  }
0x86: {  	s15 =	rddreg [dreg:$0xe];
	[sflag:s29] =	ssyncadd.s32 $0xFFFFC000  }
0x87: {  	[spmem:s2] =	stream.indirect.scatter.add.f32 [tilespmem:s26], [sflag:$0x4], $0x80, s15, s25, $0xb8;
	[tilespmem:$0x1FE80] =	vst v63  }
0x88: {  	_ =	swait.ge [sflag:s8], $0x4000  }
0x89: {  	[sflag:s8] =	ssyncset.done $0x0  }
0x8a: {  	s18 =	rddreg [dreg:$0xf];
	[sflag:s8] =	ssyncadd.s32 $0xFFFFC000  }
0x8b: {  	[tilespmem:s31], [sflag:$0x3] =	stream.indirect.gather [hbm4b:s1+s25], $0x80, s18, s25, $0xb8;
	[tilespmem:$0x1FE80] =	vst v63  }
0x8c: {  	_ =	swait.ge [sflag:s0], $0x4000  }
0x8d: {  	[sflag:s0] =	ssyncset.done $0x0  }
0x8e: {  	[sflag:s0] =	ssyncadd.s32 $0xFFFFC000  }
0x8f: {  	[spmem:s2] =	stream.indirect.scatter.add.f32 [tilespmem:s28], [sflag:$0x5], $0x80, s23, s25, $0xb8;
	[tilespmem:$0x1FE80] =	vst v63  }
0x90: {  	_ =	swait.ge [sflag:s16], $0x4000  }
0x91: {  	[sflag:s16] =	ssyncset.done $0x0  }
0x92: {  	s12 =	simm.s32 @!p2 $0x7;
	[sflag:s16] =	ssyncadd.s32 $0xFFFFC000  }
0x93: {  	_ =	swait.ge @!p2 [sflag:s12], $0x100  }
0x94: {  	[sflag:s12] =	ssyncset.done @!p2 $0x0  }
0x95: {  	[sflag:s12] =	ssyncadd.s32 @!p2 $0xFFFFFF00  }
0x96: {  	_ =	swait.ge @!p2 [sflag:s12], $0x100  }
0x97: {  	s13 =	simm.s32 @!p2 $0x600;
	[sflag:s12] =	ssyncset.done @!p2 $0x0  }
0x98: {  	s15 =	simm.s32 @!p2 $0x80;
	[sflag:s12] =	ssyncadd.s32 @!p2 $0xFFFFFF00;
	s12 =	rddreg [dreg:$0x8]  }
0x99: {  	[tilespmem:s13], [sflag:$0x1] =	stream.indirect.gather @!p2 [hbm4b:s1+s15], $0x80, s14, s15, $0xb8;
	[tilespmem:$0x1FE80] =	vst v63  }
0x9a: {  	s13 =	rddreg [dreg:$0x9];
	p2 =	sle.u32 s9, $0x8  }
0x9b: {  	s12 =	sadd.s32 @!p2 $0x0, s12;
	s14 =	simm.s32 @!p2 $0x0;
	s15 =	simm.s32 @!p2 $0x100  }
0x9c: {  	[tilespmem:s15], [sflag:$0x8] =	stream.linear.gather @!p2 [hbm4b:s12+s14], $0x100, $0x38;
	[tilespmem:$0x1FE80] =	vst v63  }
0x9d: {  	s12 =	sadd.s32 @!p2 $0x0, s13;
	s13 =	simm.s32 @!p2 $0x400  }
0x9e: {  	[tilespmem:s13], [sflag:$0x8] =	stream.linear.gather @!p2 [hbm4b:s12+s14], $0x100, $0x38;
	[tilespmem:$0x1FE80] =	vst v63  }
0x9f: {  	_ =	swait.ge [sflag:s17], $0x4000  }
0xa0: {  	[sflag:s17] =	ssyncset.done $0x0  }
0xa1: {  	s24 =	rddreg [dreg:$0x10];
	[sflag:s17] =	ssyncadd.s32 $0xFFFFC000  }
0xa2: {  	[spmem:s2] =	stream.indirect.scatter.add.f32 [tilespmem:s31], [sflag:$0x6], $0x80, s24, s25, $0xb8;
	[tilespmem:$0x1FE80] =	vst v63  }
0xa3: {  	_ =	swait.ge [sflag:s4], $0x4000  }
0xa4: {  	s12 =	simm.s32 $0x60;
	s13 =	simm.s32 $0x6;
	[sflag:s4] =	ssyncset.done $0x0  }
0xa5: {  	s14 =	simm.s32 $0x0;
	s18 =	rddreg [dreg:$0x5];
	[sflag:s4] =	ssyncadd.s32 $0xFFFFC000  }
.LBB2_2:
0xa6: {  	p3 =	sge.u32 s14, s18  }
0xa7: {  	s18 =	simm.s32 @!p3 $0x80;
	s7 =	simm.s32 @!p3 $0x4600  }
0xa8: {  	[tilespmem:s7], [sflag:$0x2] =	stream.indirect.gather @!p3 [hbm4b:s1+s18], $0x80, s18, s18, $0xb8;
	[tilespmem:$0x1FE80] =	vst v63  }
0xa9: {  	s15 =	smov.u32 s12;
	_ =	swait.ge [sflag:s29], $0x4000  }
0xaa: {  	p3 =	seq.s32 s15, $0x0;
	[sflag:s29] =	ssyncset.done $0x0  }
0xab: {  	s7 =	simm.s32 @!p3 $0x6;
	[sflag:s29] =	ssyncadd.s32 $0xFFFFC000  }
0xac: {  	[spmem:s2] =	stream.indirect.scatter.add.f32 [tilespmem:s26], [sflag:$0x4], $0x80, s19, s25, $0xb8;
	[tilespmem:$0x1FE80] =	vst v63  }
0xad: {  	_ =	swait.ge @!p3 [sflag:s7], $0x4000  }
0xae: {  	[sflag:s7] =	ssyncset.done @!p3 $0x0  }
0xaf: {  	[sflag:s7] =	ssyncadd.s32 @!p3 $0xFFFFC000  }
0xb0: {  	_ =	swait.ge [sflag:s30], $0x100  }
0xb1: {  	[sflag:s30] =	ssyncset.done $0x0  }
0xb2: {  	[sflag:s30] =	ssyncadd.s32 $0xFFFFFF00  }
0xb3: {  	_ =	swait.ge [sflag:s30], $0x100  }
0xb4: {  	[sflag:s30] =	ssyncset.done $0x0  }
0xb5: {  	s10 =	simm.s32 @!p3 $0x0;
	s7 =	rddreg [dreg:$0x6];
	[sflag:s30] =	ssyncadd.s32 $0xFFFFFF00  }
0xb6: {  	[tilespmem:s31], [sflag:$0x3] =	stream.indirect.gather [hbm4b:s1+s25], $0x80, s20, s25, $0xb8;
	[tilespmem:$0x1FE80] =	vst v63  }
0xb7: {  	s3 =	simm.s32 @!p3 $0x200;
	s5 =	rddreg [dreg:$0x7];
	s7 =	sadd.s32 @!p3 s15, s7  }
0xb8: {  	[tilespmem:s3], [sflag:$0x9] =	stream.linear.gather @!p3 [hbm4b:s7+s10], $0x100, $0x38;
	[tilespmem:$0x1FE80] =	vst v63  }
0xb9: {  	s18 =	simm.s32 @!p3 $0x500;
	s3 =	sadd.s32 @!p3 s15, s5  }
0xba: {  	[tilespmem:s18], [sflag:$0x9] =	stream.linear.gather @!p3 [hbm4b:s3+s10], $0x100, $0x38;
	[tilespmem:$0x1FE80] =	vst v63  }
0xbb: {  	_ =	swait.ge [sflag:s0], $0x4000  }
0xbc: {  	[sflag:s0] =	ssyncset.done $0x0  }
0xbd: {  	s5 =	rddreg [dreg:$0xc];
	[sflag:s0] =	ssyncadd.s32 $0xFFFFC000  }
0xbe: {  	[spmem:s2] =	stream.indirect.scatter.add.f32 [tilespmem:s28], [sflag:$0x5], $0x80, s5, s25, $0xb8;
	[tilespmem:$0x1FE80] =	vst v63  }
0xbf: {  	_ =	swait.ge [sflag:s16], $0x4000  }
0xc0: {  	[sflag:s16] =	ssyncset.done $0x0  }
0xc1: {  	s7 =	rddreg [dreg:$0xd];
	[sflag:s16] =	ssyncadd.s32 $0xFFFFC000  }
0xc2: {  	[tilespmem:s26], [sflag:$0x1] =	stream.indirect.gather [hbm4b:s1+s25], $0x80, s7, s25, $0xb8;
	[tilespmem:$0x1FE80] =	vst v63  }
0xc3: {  	_ =	swait.ge [sflag:s17], $0x4000  }
0xc4: {  	[sflag:s17] =	ssyncset.done $0x0  }
0xc5: {  	[sflag:s17] =	ssyncadd.s32 $0xFFFFC000  }
0xc6: {  	[spmem:s2] =	stream.indirect.scatter.add.f32 [tilespmem:s31], [sflag:$0x6], $0x80, s21, s25, $0xb8;
	[tilespmem:$0x1FE80] =	vst v63  }
0xc7: {  	_ =	swait.ge [sflag:s4], $0x4000  }
0xc8: {  	[sflag:s4] =	ssyncset.done $0x0  }
0xc9: {  	[sflag:s4] =	ssyncadd.s32 $0xFFFFC000  }
0xca: {  	_ =	swait.ge [sflag:s6], $0x100  }
0xcb: {  	[sflag:s6] =	ssyncset.done $0x0  }
0xcc: {  	[sflag:s6] =	ssyncadd.s32 $0xFFFFFF00  }
0xcd: {  	_ =	swait.ge [sflag:s6], $0x100  }
0xce: {  	s14 =	smov.u32 s13;
	s13 =	sadd.s32 $0x6, s13;
	[sflag:s6] =	ssyncset.done $0x0  }
0xcf: {  	p3 =	sge.u32 s13, s9;
	s3 =	rddreg [dreg:$0xa];
	[sflag:s6] =	ssyncadd.s32 $0xFFFFFF00  }
0xd0: {  	[tilespmem:s28], [sflag:$0x2] =	stream.indirect.gather [hbm4b:s1+s25], $0x80, s22, s25, $0xb8;
	[tilespmem:$0x1FE80] =	vst v63  }
0xd1: {  	s7 =	simm.s32 @!p3 $0x0;
	s5 =	rddreg [dreg:$0xb];
	s3 =	sadd.s32 @!p3 s15, s3  }
0xd2: {  	[tilespmem:s7], [sflag:$0x7] =	stream.linear.gather @!p3 [hbm4b:s3+s7], $0x100, $0x38;
	[tilespmem:$0x1FE80] =	vst v63  }
0xd3: {  	s10 =	simm.s32 @!p3 $0x300;
	s3 =	sadd.s32 @!p3 s15, s5  }
0xd4: {  	[tilespmem:s10], [sflag:$0x7] =	stream.linear.gather @!p3 [hbm4b:s3+s7], $0x100, $0x38;
	[tilespmem:$0x1FE80] =	vst v63  }
0xd5: {  	_ =	swait.ge [sflag:s29], $0x4000  }
0xd6: {  	[sflag:s29] =	ssyncset.done $0x0  }
0xd7: {  	s10 =	rddreg [dreg:$0xe];
	[sflag:s29] =	ssyncadd.s32 $0xFFFFC000  }
0xd8: {  	[spmem:s2] =	stream.indirect.scatter.add.f32 [tilespmem:s26], [sflag:$0x4], $0x80, s10, s25, $0xb8;
	[tilespmem:$0x1FE80] =	vst v63  }
0xd9: {  	_ =	swait.ge [sflag:s8], $0x4000  }
0xda: {  	[sflag:s8] =	ssyncset.done $0x0  }
0xdb: {  	s18 =	rddreg [dreg:$0xf];
	[sflag:s8] =	ssyncadd.s32 $0xFFFFC000  }
0xdc: {  	[tilespmem:s31], [sflag:$0x3] =	stream.indirect.gather [hbm4b:s1+s25], $0x80, s18, s25, $0xb8;
	[tilespmem:$0x1FE80] =	vst v63  }
0xdd: {  	_ =	swait.ge [sflag:s0], $0x4000  }
0xde: {  	[sflag:s0] =	ssyncset.done $0x0  }
0xdf: {  	[sflag:s0] =	ssyncadd.s32 $0xFFFFC000  }
0xe0: {  	[spmem:s2] =	stream.indirect.scatter.add.f32 [tilespmem:s28], [sflag:$0x5], $0x80, s23, s25, $0xb8;
	[tilespmem:$0x1FE80] =	vst v63  }
0xe1: {  	_ =	swait.ge [sflag:s16], $0x4000  }
0xe2: {  	[sflag:s16] =	ssyncset.done $0x0  }
0xe3: {  	s3 =	simm.s32 @!p3 $0x7;
	[sflag:s16] =	ssyncadd.s32 $0xFFFFC000  }
0xe4: {  	_ =	swait.ge @!p3 [sflag:s3], $0x100  }
0xe5: {  	[sflag:s3] =	ssyncset.done @!p3 $0x0  }
0xe6: {  	[sflag:s3] =	ssyncadd.s32 @!p3 $0xFFFFFF00  }
0xe7: {  	_ =	swait.ge @!p3 [sflag:s3], $0x100  }
0xe8: {  	s5 =	simm.s32 @!p3 $0x600;
	s10 =	simm.s32 @!p3 $0x80;
	[sflag:s3] =	ssyncset.done @!p3 $0x0  }
0xe9: {  	s18 =	rddreg [dreg:$0x8];
	[sflag:s3] =	ssyncadd.s32 @!p3 $0xFFFFFF00;
	s3 =	sadd.s32 $0x8, s14  }
0xea: {  	[tilespmem:s5], [sflag:$0x1] =	stream.indirect.gather @!p3 [hbm4b:s1+s10], $0x80, s7, s10, $0xb8;
	[tilespmem:$0x1FE80] =	vst v63  }
0xeb: {  	s24 =	rddreg [dreg:$0x9];
	p3 =	sge.u32 s3, s9  }
0xec: {  	s3 =	sadd.s32 @!p3 s15, s18;
	s5 =	simm.s32 @!p3 $0x0;
	s7 =	simm.s32 @!p3 $0x100  }
0xed: {  	[tilespmem:s7], [sflag:$0x8] =	stream.linear.gather @!p3 [hbm4b:s3+s5], $0x100, $0x38;
	[tilespmem:$0x1FE80] =	vst v63  }
0xee: {  	s3 =	sadd.s32 @!p3 s15, s24;
	s7 =	simm.s32 @!p3 $0x400  }
0xef: {  	[tilespmem:s7], [sflag:$0x8] =	stream.linear.gather @!p3 [hbm4b:s3+s5], $0x100, $0x38;
	[tilespmem:$0x1FE80] =	vst v63  }
0xf0: {  	s12 =	sadd.s32 $0x60, s12;
	_ =	swait.ge [sflag:s17], $0x4000  }
0xf1: {  	p2 =	sne.s32 s12, $0x4E0;
	[sflag:s17] =	ssyncset.done $0x0  }
.Ltmp2:
0xf2: {  	s24 =	rddreg [dreg:$0x10];
	[sflag:s17] =	ssyncadd.s32 $0xFFFFC000;
	(pc) =	sbr.rel @p2 .LBB2_2-.Ltmp2, $4  }
0xf3: {  	[spmem:s2] =	stream.indirect.scatter.add.f32 [tilespmem:s31], [sflag:$0x6], $0x80, s24, s25, $0xb8;
	[tilespmem:$0x1FE80] =	vst v63  }
0xf4: {  	_ =	swait.ge [sflag:s4], $0x4000  }
0xf5: {  	[sflag:s4] =	ssyncset.done $0x0  }
0xf6: {  	s18 =	rddreg [dreg:$0x5];
	[sflag:s4] =	ssyncadd.s32 $0xFFFFC000  }
.Ltmp3:
0xf7: {  	(pc) =	sbr.rel @p1 .LBB2_5-.Ltmp3, $4  }
0xf8: {  	_ = 	snop  }
0xf9: {  	p2 =	sge.u32 s14, s18  }
0xfa: {  	s3 =	simm.s32 @!p2 $0x80;
	s5 =	simm.s32 @!p2 $0x4600  }
0xfb: {  	[tilespmem:s5], [sflag:$0x2] =	stream.indirect.gather @!p2 [hbm4b:s1+s3], $0x80, s3, s3, $0xb8;
	[tilespmem:$0x1FE80] =	vst v63  }
0xfc: {  	_ =	swait.ge [sflag:s29], $0x4000  }
0xfd: {  	[sflag:s29] =	ssyncset.done $0x0  }
0xfe: {  	[sflag:s29] =	ssyncadd.s32 $0xFFFFC000  }
0xff: {  	[spmem:s2] =	stream.indirect.scatter.add.f32 [tilespmem:s26], [sflag:$0x4], $0x80, s19, s25, $0xb8;
	[tilespmem:$0x1FE80] =	vst v63  }
0x100: {  	_ =	swait.ge [sflag:s8], $0x4000  }
0x101: {  	[sflag:s8] =	ssyncset.done $0x0  }
0x102: {  	[sflag:s8] =	ssyncadd.s32 $0xFFFFC000  }
.Ltmp4:
0x103: {  	_ =	swait.ge [sflag:s16], $0x4000;
	(pc) =	sbr.rel .LBB2_6-.Ltmp4, $3  }
0x104: {  	[sflag:s16] =	ssyncset.done $0x0  }
0x105: {  	[sflag:s16] =	ssyncadd.s32 $0xFFFFC000  }
0x106: {  	[bflag:$0x0] =	sbarrier.arrive $0xFFFF;
	_ =	sdelay $0x1  }
.LBB2_5:
.Ltmp5:
0x107: {  	_ =	swait.ge [sflag:s8], $0x4000;
	(pc) =	sbr.rel @p0 .LBB2_7-.Ltmp5, $3  }
0x108: {  	[sflag:s8] =	ssyncset.done $0x0  }
0x109: {  	[sflag:s8] =	ssyncadd.s32 $0xFFFFC000  }
0x10a: {  	[bflag:$0x0] =	sbarrier.arrive $0xFFFF;
	_ =	sdelay $0x1  }
.LBB2_6:
0x10b: {  	s3 =	stileid.u32;
	s5 =	rddreg [dreg:$0x11]  }
0x10c: {  	s7 =	rddreg [dreg:$0x1c];
	s24 =	simm.s32 $0xA;
	s3 =	sshll.u32 s3, $0x6  }
.Ltmp6:
0x10d: {  	s5 =	sshrl.u32 s5, $0x3;
	s3 =	sor.u32 $0x1C0A, s3;
	(pc) =	sbr.rel .LBB2_8-.Ltmp6, $4  }
0x10e: {  	[hbm:s7], [sflag:s3] =	dma.local [spmem:s5], $0x2780  }
0x10f: {  	_ =	swait.ge [sflag:s24], $0x2780  }
0x110: {  	[sflag:s24] =	ssyncset.done $0x0  }
0x111: {  	[sflag:s24] =	ssyncadd.s32 $0xFFFFD880  }
.LBB2_9:
0x112: {  	_ =	sfence.sel $0x180000  }
0x113: {  	[bflag:$0x0] =	sbarrier.arrive $0xFFFF  }
0x114: {  	_ =	strace $0x90000047  }
0x115: {  	s0 =	stileid.u32;
	[bflag:$0x2] =	sbarrier.arrive $0xFFFF  }
0x116: {  	p0 =	sne.s32 s0, $0x0;
	s0 =	rddreg [dreg:$0x4]  }
0x117: {  	s0 =	sadd.s32 @!p0 $0x100000, s0  }
0x118: {  	[sflag:s0] =	ssyncadd.tile.s32 @!p0 $0x1;
	_ =	shalt  }
.Lfunc_end2:
_tile_overlayer_lowered:
.L_overlay_start_2:
0x119: {  	(tag) =	ssettag $0x2  }
0x11a: {  	s0 =	rddreg [dreg:$0x0];
	s2 =	stileid.u32  }
0x11b: {  	s1 =	rddreg [dreg:$0x1];
	p0 =	sne.s32 s2, $0x0  }
0x11c: {  	s3 =	rddreg [dreg:$0x2];
	[bflag:$0x3] =	sbarrier.arrive $0xFFFF;
	s2 =	simm.s32 @!p0 $0x1C0A  }
0x11d: {  	[timem:s3], [sflag:s2] =	dma.local @!p0 [hbm:s0], s1  }
0x11e: {  	s0 =	simm.s32 @!p0 $0xA  }
0x11f: {  	_ =	swait.ge @!p0 [sflag:s0], s1  }
0x120: {  	s1 =	ssub.s32 @!p0 $0x0, s1;
	[sflag:s0] =	ssyncset.done @!p0 $0x0  }
0x121: {  	[sflag:s0] =	ssyncadd.s32 @!p0 s1  }
0x122: {  	[bflag:$0x3] =	sbarrier.arrive $0xFFFF  }
0x123: {  	_ =	shalt  }

</sc_bundles>
